<compile_context>
chip_gen: v7x
topology: tpu7x:2x2x1
jax: 0.10.2.dev20260603
libtpu: 0.0.44.dev20260713+nightly
codegen_flags: <defaults>
</compile_context>

<pallas_src>
import functools

import jax
import jax.numpy as jnp
from jax import lax
from jax.experimental import pallas as pl
from jax.experimental.pallas import tpu as pltpu
from jax.experimental.pallas import tpu_sc as plsc

N = 10000
E = 320000
D = 128

NC = 2
NS = 16
NW = NC * NS

CH = 128
CPW = 79
EPW_PAD = CPW * CH
E_PAD = EPW_PAD * NW
NPAD = 10240
RPT = NPAD // NS


def _edge_kernel_body(*refs):
    (xp, edges, zero128,
     acc_out,
     srcbuf, dstbuf, rows, accsh, sem) = refs

    c = lax.axis_index("c")
    s = lax.axis_index("s")
    w = s * NC + c

    pltpu.sync_copy(zero128.at[pl.ds(s * RPT, RPT)],
                    accsh.at[pl.ds(s * RPT, RPT)])

    pltpu.sync_copy(edges.at[0, w], srcbuf)
    pltpu.sync_copy(edges.at[1, w], dstbuf)
    plsc.subcore_barrier()

    def body(i, carry):
        pltpu.async_copy(xp.at[srcbuf.at[i]], rows, sem).wait()
        pltpu.sync_copy(rows, accsh.at[dstbuf.at[i]], add=True)
        return carry

    lax.fori_loop(0, CPW, body, 0)
    plsc.subcore_barrier()

    pltpu.sync_copy(accsh.at[pl.ds(s * RPT, RPT)],
                    acc_out.at[c, pl.ds(s * RPT, RPT)])


def _make_edge_kernel():
    mesh = plsc.VectorSubcoreMesh(core_axis_name="c", subcore_axis_name="s",
                                  num_cores=NC, num_subcores=NS)
    out_type = [jax.ShapeDtypeStruct((NC, NPAD, D), jnp.float32)]
    scratch = [
        pltpu.VMEM((CPW, CH), jnp.int32),
        pltpu.VMEM((CPW, CH), jnp.int32),
        pltpu.VMEM((CH, D), jnp.float32),
        pltpu.VMEM_SHARED((NPAD, D), jnp.float32),
        pltpu.SemaphoreType.DMA,
    ]
    return pl.kernel(_edge_kernel_body,
                     out_type=out_type, mesh=mesh, scratch_types=scratch)


def _cnt_kernel_body(*refs):
    (dst3, zero128, ones128,
     cnt_out,
     dstbuf, onesbuf, cntsh) = refs

    c = lax.axis_index("c")
    s = lax.axis_index("s")
    w = s * NC + c

    pltpu.sync_copy(zero128.at[pl.ds(s * RPT, RPT)],
                    cntsh.at[pl.ds(s * RPT, RPT)])
    pltpu.sync_copy(ones128, onesbuf)
    pltpu.sync_copy(dst3.at[w], dstbuf)
    plsc.subcore_barrier()

    def body(i, carry):
        pltpu.sync_copy(onesbuf, cntsh.at[dstbuf.at[i]], add=True)
        return carry

    lax.fori_loop(0, CPW, body, 0)
    plsc.subcore_barrier()

    pltpu.sync_copy(cntsh.at[pl.ds(s * RPT, RPT)],
                    cnt_out.at[c, pl.ds(s * RPT, RPT)])


def _make_cnt_kernel():
    mesh = plsc.VectorSubcoreMesh(core_axis_name="c", subcore_axis_name="s",
                                  num_cores=NC, num_subcores=NS)
    out_type = [jax.ShapeDtypeStruct((NC, NPAD, D), jnp.float32)]
    scratch = [
        pltpu.VMEM((CPW, CH), jnp.int32),
        pltpu.VMEM((CH, D), jnp.float32),
        pltpu.VMEM_SHARED((NPAD, D), jnp.float32),
    ]
    return pl.kernel(_cnt_kernel_body,
                     out_type=out_type, mesh=mesh, scratch_types=scratch)


def _proj_body(x_ref, w_ref, b_ref, o_ref):
    o_ref[...] = jax.nn.relu(
        lax.dot_general(x_ref[...], w_ref[...], (((1,), (1,)), ((), ())),
                        preferred_element_type=jnp.float32) + b_ref[...])


def _proj(x, Wp, bp, bn=1000):
    grid = N // bn
    return pl.pallas_call(
        _proj_body,
        grid=(grid,),
        in_specs=[
            pl.BlockSpec((bn, D), lambda i: (i, 0)),
            pl.BlockSpec((D, D), lambda i: (0, 0)),
            pl.BlockSpec((1, D), lambda i: (0, 0)),
        ],
        out_specs=pl.BlockSpec((bn, D), lambda i: (i, 0)),
        out_shape=jax.ShapeDtypeStruct((N, D), jnp.float32),
    )(x, Wp, bp.reshape(1, D))


def _combine_body(fuse_proj, *refs):
    if fuse_proj:
        (acc, cnt, x, wl, bl, wr, g, be, wp, bp, h_out, xp_out) = refs
    else:
        (acc, cnt, x, wl, bl, wr, g, be, h_out) = refs
    a = acc[0] + acc[1]
    cv = cnt[0, :, 0:1] + cnt[1, :, 0:1]
    agg = a / jnp.maximum(cv, 1.0)
    h = (lax.dot_general(agg, wl[...], (((1,), (1,)), ((), ())),
                         preferred_element_type=jnp.float32)
         + bl[...]
         + lax.dot_general(x[...], wr[...], (((1,), (1,)), ((), ())),
                           preferred_element_type=jnp.float32))
    mu = jnp.mean(h, axis=1, keepdims=True)
    var = jnp.mean((h - mu) * (h - mu), axis=1, keepdims=True)
    hn = (h - mu) * lax.rsqrt(var + 1e-5) * g[...] + be[...]
    h_out[...] = hn
    if fuse_proj:
        xp_out[...] = jax.nn.relu(
            lax.dot_general(hn, wp[...], (((1,), (1,)), ((), ())),
                            preferred_element_type=jnp.float32) + bp[...])


def _combine(acc, cnt, x, Wl, bl, Wr, g, be, Wp=None, bp=None, bn=1000):
    fuse = Wp is not None
    grid = N // bn
    row = lambda i: (i, 0)
    full = lambda i: (0, 0)
    in_specs = [
        pl.BlockSpec((NC, bn, D), lambda i: (0, i, 0)),
        pl.BlockSpec((NC, bn, D), lambda i: (0, i, 0)),
        pl.BlockSpec((bn, D), row),
        pl.BlockSpec((D, D), full),
        pl.BlockSpec((1, D), full),
        pl.BlockSpec((D, D), full),
        pl.BlockSpec((1, D), full),
        pl.BlockSpec((1, D), full),
    ]
    args = [acc, cnt, x, Wl, bl.reshape(1, D), Wr,
            g.reshape(1, D), be.reshape(1, D)]
    out_shape = jax.ShapeDtypeStruct((N, D), jnp.float32)
    if fuse:
        in_specs += [pl.BlockSpec((D, D), full), pl.BlockSpec((1, D), full)]
        args += [Wp, bp.reshape(1, D)]
        out_shape = [out_shape, jax.ShapeDtypeStruct((N, D), jnp.float32)]
        out_specs = [pl.BlockSpec((bn, D), row), pl.BlockSpec((bn, D), row)]
    else:
        out_specs = pl.BlockSpec((bn, D), row)
    return pl.pallas_call(
        functools.partial(_combine_body, fuse),
        grid=(grid,),
        in_specs=in_specs,
        out_specs=out_specs,
        out_shape=out_shape,
    )(*args)


def kernel(x, edge_index, Wp0, bp0, Wl0, bl0, Wr0, g0, be0,
           Wp1, bp1, Wl1, bl1, Wr1, g1, be1):
    pad = E_PAD - E
    pad_dst = N + jnp.arange(pad, dtype=jnp.int32) % (NPAD - N)
    pad_src = jnp.arange(pad, dtype=jnp.int32) % N
    srcp = jnp.concatenate([edge_index[0], pad_src])
    dstp = jnp.concatenate([edge_index[1], pad_dst])
    edges = jnp.stack([srcp, dstp]).reshape(2, NW, CPW, CH)
    dst3 = edges[1]

    zero128 = jnp.zeros((NPAD, D), jnp.float32)
    ones128 = jnp.ones((CH, D), jnp.float32)

    edge_kernel = _make_edge_kernel()
    cnt_kernel = _make_cnt_kernel()

    xp0 = _proj(x, Wp0, bp0)
    (cnt,) = cnt_kernel(dst3, zero128, ones128)
    (acc0,) = edge_kernel(xp0, edges, zero128)
    h1, xp1 = _combine(acc0, cnt, x, Wl0, bl0, Wr0, g0, be0, Wp1, bp1)
    (acc1,) = edge_kernel(xp1, edges, zero128)
    out = _combine(acc1, cnt, h1, Wl1, bl1, Wr1, g1, be1)
    return out

# --- scband reference (transcript-rebuilt; emitter-appended) ---
"""Pipeline reference for scband-neuro-stock-12249246728622 (READ-ONLY COPY).

The authoritative reference and input builder live on the scoring server;
editing this copy changes nothing except your own understanding.
"""

import jax, jax.numpy as jnp
import numpy as np

N = 10000
E = 320000
D = 128
L = 2


def setup_inputs(seed: int = 0) -> dict:
    key = jax.random.key(seed)
    ks = jax.random.split(key, 2 + 7 * L)
    inp = {}
    inp["x"] = jax.random.normal(ks[0], (N, D), dtype=jnp.float32)
    inp["edge_index"] = jax.random.randint(ks[1], (2, E), 0, N, dtype=jnp.int32)
    s = 1.0 / np.sqrt(D)
    for i in range(L):
        base = 2 + 7 * i
        inp[f"Wp{i}"] = jax.random.normal(ks[base + 0], (D, D), dtype=jnp.float32) * s
        inp[f"bp{i}"] = jnp.zeros((D,), dtype=jnp.float32)
        inp[f"Wl{i}"] = jax.random.normal(ks[base + 1], (D, D), dtype=jnp.float32) * s
        inp[f"bl{i}"] = jnp.zeros((D,), dtype=jnp.float32)
        inp[f"Wr{i}"] = jax.random.normal(ks[base + 2], (D, D), dtype=jnp.float32) * s
        inp[f"g{i}"] = jnp.ones((D,), dtype=jnp.float32)
        inp[f"be{i}"] = jnp.zeros((D,), dtype=jnp.float32)
    return inp


def _sage_layer(x, src, dst, Wp, bp, Wl, bl, Wr):
    # SAGEConv with project=True: project+relu source features before mean aggregation
    xp = jax.nn.relu(x @ Wp.T + bp)
    msg = jnp.take(xp, src, axis=0)
    agg_sum = jax.ops.segment_sum(msg, dst, num_segments=x.shape[0])
    cnt = jax.ops.segment_sum(jnp.ones((msg.shape[0],), jnp.float32), dst, num_segments=x.shape[0])
    agg = agg_sum / jnp.clip(cnt, 1.0)[:, None]
    # lin_l on aggregated neighbors (with bias) + lin_r on root (no bias, unprojected x)
    return agg @ Wl.T + bl + x @ Wr.T


def _layernorm(h, g, b, eps=1e-5):
    mu = jnp.mean(h, axis=-1, keepdims=True)
    var = jnp.var(h, axis=-1, keepdims=True)
    return (h - mu) / jnp.sqrt(var + eps) * g + b


def reference(x, edge_index, Wp0, bp0, Wl0, bl0, Wr0, g0, be0, Wp1, bp1, Wl1, bl1, Wr1, g1, be1):
    src = edge_index[0]
    dst = edge_index[1]
    h = _layernorm(_sage_layer(x, src, dst, Wp0, bp0, Wl0, bl0, Wr0), g0, be0)
    h = _layernorm(_sage_layer(h, src, dst, Wp1, bp1, Wl1, bl1, Wr1), g1, be1)
    return h

if __name__ == "__main__":
    import jax
    _d = setup_inputs()
    print(jax.jit(kernel)(*tuple(_d.values())))

</pallas_src>

<mosaic_0001>
#map = affine_map<(d0, d1) -> (0, 0)>
#map1 = affine_map<(d0, d1) -> (0, 0, 0, 0)>
#map2 = affine_map<(d0, d1) -> (0, 0, 0)>
module attributes {stable_mosaic.version = 14 : i64} {
  func.func @_edge_kernel_body(%arg0: i32, %arg1: i32, %arg2: memref<10000x128xf32, #tpu.memory_space<hbm>>, %arg3: memref<2x32x79x128xi32, #tpu.memory_space<hbm>>, %arg4: memref<10240x128xf32, #tpu.memory_space<hbm>>, %arg5: memref<2x10240x128xf32, #tpu.memory_space<hbm>>, %arg6: memref<79x128xi32, #tpu.memory_space<vmem>>, %arg7: memref<79x128xi32, #tpu.memory_space<vmem>>, %arg8: memref<128x128xf32, #tpu.memory_space<vmem>>, %arg9: memref<10240x128xf32, #tpu.memory_space<vmem_shared>>, %arg10: memref<!tpu.dma_semaphore, #tpu.memory_space<semaphore_mem>>) attributes {dimension_semantics = [#tpu.dimension_semantics<core_parallel>, #tpu.dimension_semantics<subcore_parallel>], iteration_bounds = array<i64: 2, 16>, scalar_prefetch = 0 : i64, scratch_operands = 5 : i64, tpu.core_type = #tpu.core_type<sc_vector_subcore>, window_params = [{transform_indices = #map}, {transform_indices = #map1}, {transform_indices = #map}, {transform_indices = #map2}]} {
    %mul3A = arith.constant 2 : i32
    %mul3A_0 = arith.muli %arg1, %mul3A : i32
    %add3A = arith.addi %mul3A_0, %arg0 : i32
    %mul3A_1 = arith.constant 640 : i32
    %mul3A_2 = arith.muli %arg1, %mul3A_1 : i32
    %mul3A_3 = arith.constant 640 : i32
    %mul3A_4 = arith.muli %arg1, %mul3A_3 : i32
    "tpu.region"() ({
      %run_scoped3A_16 = tpu.sem_alloc : memref<!tpu.dma_semaphore, #tpu.memory_space<semaphore_mem>>
      %dma_start3A = arith.constant 0 : i32
      %dma_start3A_17 = tpu.memref_slice %arg9[%mul3A_4, %dma_start3A] : memref<10240x128xf32, #tpu.memory_space<vmem_shared>> -> memref<640x128xf32, #tpu.memory_space<vmem_shared>>
      %dma_start3A_18 = arith.constant 0 : i32
      %dma_start3A_19 = tpu.memref_slice %arg4[%mul3A_2, %dma_start3A_18] : memref<10240x128xf32, #tpu.memory_space<hbm>> -> memref<640x128xf32, #tpu.memory_space<hbm>>
      tpu.enqueue_dma source(%dma_start3A_19 : memref<640x128xf32, #tpu.memory_space<hbm>>) target(%dma_start3A_17 : memref<640x128xf32, #tpu.memory_space<vmem_shared>>) target_semaphore(%run_scoped3A_16 : memref<!tpu.dma_semaphore, #tpu.memory_space<semaphore_mem>>)
      %dma_wait3A = arith.constant 0 : i32
      %dma_wait3A_20 = tpu.memref_slice %arg9[%mul3A_4, %dma_wait3A] : memref<10240x128xf32, #tpu.memory_space<vmem_shared>> -> memref<640x128xf32, #tpu.memory_space<vmem_shared>>
      %dma_wait3A_21 = arith.constant 0 : i32
      %dma_wait3A_22 = tpu.memref_slice %arg4[%mul3A_2, %dma_wait3A_21] : memref<10240x128xf32, #tpu.memory_space<hbm>> -> memref<640x128xf32, #tpu.memory_space<hbm>>
      tpu.wait_dma2 semaphore(%run_scoped3A_16 : memref<!tpu.dma_semaphore, #tpu.memory_space<semaphore_mem>>) src(%dma_wait3A_22 : memref<640x128xf32, #tpu.memory_space<hbm>>) dst(%dma_wait3A_20 : memref<640x128xf32, #tpu.memory_space<vmem_shared>>)
      tpu.yield
    }) : () -> ()
    %run_scoped3A = arith.constant 0 : i32
    "tpu.region"() ({
      %run_scoped3A_16 = tpu.sem_alloc : memref<!tpu.dma_semaphore, #tpu.memory_space<semaphore_mem>>
      %dma_start3A = arith.constant 0 : i32
      %dma_start3A_17 = arith.constant 0 : i32
      %dma_start3A_18 = tpu.memref_slice %arg3[%run_scoped3A, %add3A, %dma_start3A, %dma_start3A_17] : memref<2x32x79x128xi32, #tpu.memory_space<hbm>> -> memref<1x1x79x128xi32, #tpu.memory_space<hbm>>
      %dma_start3A_19 = tpu.memref_squeeze %dma_start3A_18 : memref<1x1x79x128xi32, #tpu.memory_space<hbm>> -> memref<79x128xi32, #tpu.memory_space<hbm>>
      %dma_start3A_20 = arith.constant 0 : i32
      %dma_start3A_21 = arith.constant 0 : i32
      %dma_start3A_22 = tpu.memref_slice %arg3[%run_scoped3A, %add3A, %dma_start3A_20, %dma_start3A_21] : memref<2x32x79x128xi32, #tpu.memory_space<hbm>> -> memref<1x1x79x128xi32, #tpu.memory_space<hbm>>
      %dma_start3A_23 = tpu.memref_squeeze %dma_start3A_22 : memref<1x1x79x128xi32, #tpu.memory_space<hbm>> -> memref<79x128xi32, #tpu.memory_space<hbm>>
      tpu.enqueue_dma source(%dma_start3A_23 : memref<79x128xi32, #tpu.memory_space<hbm>>) target(%arg6 : memref<79x128xi32, #tpu.memory_space<vmem>>) target_semaphore(%run_scoped3A_16 : memref<!tpu.dma_semaphore, #tpu.memory_space<semaphore_mem>>)
      %dma_wait3A = arith.constant 0 : i32
      %dma_wait3A_24 = arith.constant 0 : i32
      %dma_wait3A_25 = tpu.memref_slice %arg3[%run_scoped3A, %add3A, %dma_wait3A, %dma_wait3A_24] : memref<2x32x79x128xi32, #tpu.memory_space<hbm>> -> memref<1x1x79x128xi32, #tpu.memory_space<hbm>>
      %dma_wait3A_26 = tpu.memref_squeeze %dma_wait3A_25 : memref<1x1x79x128xi32, #tpu.memory_space<hbm>> -> memref<79x128xi32, #tpu.memory_space<hbm>>
      %dma_wait3A_27 = arith.constant 0 : i32
      %dma_wait3A_28 = arith.constant 0 : i32
      %dma_wait3A_29 = tpu.memref_slice %arg3[%run_scoped3A, %add3A, %dma_wait3A_27, %dma_wait3A_28] : memref<2x32x79x128xi32, #tpu.memory_space<hbm>> -> memref<1x1x79x128xi32, #tpu.memory_space<hbm>>
      %dma_wait3A_30 = tpu.memref_squeeze %dma_wait3A_29 : memref<1x1x79x128xi32, #tpu.memory_space<hbm>> -> memref<79x128xi32, #tpu.memory_space<hbm>>
      tpu.wait_dma2 semaphore(%run_scoped3A_16 : memref<!tpu.dma_semaphore, #tpu.memory_space<semaphore_mem>>) src(%dma_wait3A_30 : memref<79x128xi32, #tpu.memory_space<hbm>>) dst(%arg6 : memref<79x128xi32, #tpu.memory_space<vmem>>)
      tpu.yield
    }) : () -> ()
    %run_scoped3A_5 = arith.constant 1 : i32
    "tpu.region"() ({
      %run_scoped3A_16 = tpu.sem_alloc : memref<!tpu.dma_semaphore, #tpu.memory_space<semaphore_mem>>
      %dma_start3A = arith.constant 0 : i32
      %dma_start3A_17 = arith.constant 0 : i32
      %dma_start3A_18 = tpu.memref_slice %arg3[%run_scoped3A_5, %add3A, %dma_start3A, %dma_start3A_17] : memref<2x32x79x128xi32, #tpu.memory_space<hbm>> -> memref<1x1x79x128xi32, #tpu.memory_space<hbm>>
      %dma_start3A_19 = tpu.memref_squeeze %dma_start3A_18 : memref<1x1x79x128xi32, #tpu.memory_space<hbm>> -> memref<79x128xi32, #tpu.memory_space<hbm>>
      %dma_start3A_20 = arith.constant 0 : i32
      %dma_start3A_21 = arith.constant 0 : i32
      %dma_start3A_22 = tpu.memref_slice %arg3[%run_scoped3A_5, %add3A, %dma_start3A_20, %dma_start3A_21] : memref<2x32x79x128xi32, #tpu.memory_space<hbm>> -> memref<1x1x79x128xi32, #tpu.memory_space<hbm>>
      %dma_start3A_23 = tpu.memref_squeeze %dma_start3A_22 : memref<1x1x79x128xi32, #tpu.memory_space<hbm>> -> memref<79x128xi32, #tpu.memory_space<hbm>>
      tpu.enqueue_dma source(%dma_start3A_23 : memref<79x128xi32, #tpu.memory_space<hbm>>) target(%arg7 : memref<79x128xi32, #tpu.memory_space<vmem>>) target_semaphore(%run_scoped3A_16 : memref<!tpu.dma_semaphore, #tpu.memory_space<semaphore_mem>>)
      %dma_wait3A = arith.constant 0 : i32
      %dma_wait3A_24 = arith.constant 0 : i32
      %dma_wait3A_25 = tpu.memref_slice %arg3[%run_scoped3A_5, %add3A, %dma_wait3A, %dma_wait3A_24] : memref<2x32x79x128xi32, #tpu.memory_space<hbm>> -> memref<1x1x79x128xi32, #tpu.memory_space<hbm>>
      %dma_wait3A_26 = tpu.memref_squeeze %dma_wait3A_25 : memref<1x1x79x128xi32, #tpu.memory_space<hbm>> -> memref<79x128xi32, #tpu.memory_space<hbm>>
      %dma_wait3A_27 = arith.constant 0 : i32
      %dma_wait3A_28 = arith.constant 0 : i32
      %dma_wait3A_29 = tpu.memref_slice %arg3[%run_scoped3A_5, %add3A, %dma_wait3A_27, %dma_wait3A_28] : memref<2x32x79x128xi32, #tpu.memory_space<hbm>> -> memref<1x1x79x128xi32, #tpu.memory_space<hbm>>
      %dma_wait3A_30 = tpu.memref_squeeze %dma_wait3A_29 : memref<1x1x79x128xi32, #tpu.memory_space<hbm>> -> memref<79x128xi32, #tpu.memory_space<hbm>>
      tpu.wait_dma2 semaphore(%run_scoped3A_16 : memref<!tpu.dma_semaphore, #tpu.memory_space<semaphore_mem>>) src(%dma_wait3A_30 : memref<79x128xi32, #tpu.memory_space<hbm>>) dst(%arg7 : memref<79x128xi32, #tpu.memory_space<vmem>>)
      tpu.yield
    }) : () -> ()
    %barrier3A = arith.constant 0 : index
    tpu.barrier barrier_id(%barrier3A)
    %scan3A = arith.constant 0 : i32
    %scan3A_6 = arith.constant 0 : i32
    %scan3A_7 = arith.constant 79 : i32
    %scan3A_8 = arith.addi %scan3A_6, %scan3A_7 : i32
    %scan3A_9 = arith.constant 1 : i32
    scf.for %scan3A_16 = %scan3A_6 to %scan3A_8 step %scan3A_9  : i32 {
      %dma_start3A = arith.constant 0 : i32
      %dma_start3A_17 = tpu.memref_slice %arg6[%scan3A_16, %dma_start3A] : memref<79x128xi32, #tpu.memory_space<vmem>> -> memref<1x128xi32, #tpu.memory_space<vmem>>
      %dma_start3A_18 = tpu.memref_squeeze %dma_start3A_17 : memref<1x128xi32, #tpu.memory_space<vmem>> -> memref<128xi32, #tpu.memory_space<vmem>>
      %dma_start3A_19 = arith.constant 0 : i32
      %dma_start3A_20 = arith.constant 0 : i32
      %dma_start3A_21 = tpu.memref_slice %arg2[%dma_start3A_19, %dma_start3A_20] : memref<10000x128xf32, #tpu.memory_space<hbm>> -> memref<10000x128xf32, #tpu.memory_space<hbm>>
      tpu.enqueue_indirect_dma source(%dma_start3A_21 : memref<10000x128xf32, #tpu.memory_space<hbm>>) target(%arg8 : memref<128x128xf32, #tpu.memory_space<vmem>>) offsets(%dma_start3A_18 : memref<128xi32, #tpu.memory_space<vmem>>) semaphore(%arg10 : memref<!tpu.dma_semaphore, #tpu.memory_space<semaphore_mem>>)
      %dma_wait3A = arith.constant 0 : i32
      %dma_wait3A_22 = tpu.memref_slice %arg6[%scan3A_16, %dma_wait3A] : memref<79x128xi32, #tpu.memory_space<vmem>> -> memref<1x128xi32, #tpu.memory_space<vmem>>
      %dma_wait3A_23 = tpu.memref_squeeze %dma_wait3A_22 : memref<1x128xi32, #tpu.memory_space<vmem>> -> memref<128xi32, #tpu.memory_space<vmem>>
      %dma_wait3A_24 = arith.constant 0 : i32
      %dma_wait3A_25 = arith.constant 0 : i32
      %dma_wait3A_26 = tpu.memref_slice %arg2[%dma_wait3A_24, %dma_wait3A_25] : memref<10000x128xf32, #tpu.memory_space<hbm>> -> memref<10000x128xf32, #tpu.memory_space<hbm>>
      tpu.wait_indirect_dma semaphore(%arg10 : memref<!tpu.dma_semaphore, #tpu.memory_space<semaphore_mem>>) src(%dma_wait3A_26 : memref<10000x128xf32, #tpu.memory_space<hbm>>) dst(%arg8 : memref<128x128xf32, #tpu.memory_space<vmem>>)
      "tpu.region"() ({
        %run_scoped3A_27 = tpu.sem_alloc : memref<!tpu.dma_semaphore, #tpu.memory_space<semaphore_mem>>
        %dma_start3A_28 = arith.constant 0 : i32
        %dma_start3A_29 = tpu.memref_slice %arg7[%scan3A_16, %dma_start3A_28] : memref<79x128xi32, #tpu.memory_space<vmem>> -> memref<1x128xi32, #tpu.memory_space<vmem>>
        %dma_start3A_30 = tpu.memref_squeeze %dma_start3A_29 : memref<1x128xi32, #tpu.memory_space<vmem>> -> memref<128xi32, #tpu.memory_space<vmem>>
        %dma_start3A_31 = arith.constant 0 : i32
        %dma_start3A_32 = arith.constant 0 : i32
        %dma_start3A_33 = tpu.memref_slice %arg9[%dma_start3A_31, %dma_start3A_32] : memref<10240x128xf32, #tpu.memory_space<vmem_shared>> -> memref<10240x128xf32, #tpu.memory_space<vmem_shared>>
        tpu.enqueue_indirect_dma source(%arg8 : memref<128x128xf32, #tpu.memory_space<vmem>>) target(%dma_start3A_33 : memref<10240x128xf32, #tpu.memory_space<vmem_shared>>) offsets(%dma_start3A_30 : memref<128xi32, #tpu.memory_space<vmem>>) semaphore(%run_scoped3A_27 : memref<!tpu.dma_semaphore, #tpu.memory_space<semaphore_mem>>) {add = true}
        %dma_wait3A_34 = arith.constant 0 : i32
        %dma_wait3A_35 = tpu.memref_slice %arg7[%scan3A_16, %dma_wait3A_34] : memref<79x128xi32, #tpu.memory_space<vmem>> -> memref<1x128xi32, #tpu.memory_space<vmem>>
        %dma_wait3A_36 = tpu.memref_squeeze %dma_wait3A_35 : memref<1x128xi32, #tpu.memory_space<vmem>> -> memref<128xi32, #tpu.memory_space<vmem>>
        %dma_wait3A_37 = arith.constant 0 : i32
        %dma_wait3A_38 = arith.constant 0 : i32
        %dma_wait3A_39 = tpu.memref_slice %arg9[%dma_wait3A_37, %dma_wait3A_38] : memref<10240x128xf32, #tpu.memory_space<vmem_shared>> -> memref<10240x128xf32, #tpu.memory_space<vmem_shared>>
        tpu.wait_indirect_dma semaphore(%run_scoped3A_27 : memref<!tpu.dma_semaphore, #tpu.memory_space<semaphore_mem>>) src(%arg8 : memref<128x128xf32, #tpu.memory_space<vmem>>) dst(%dma_wait3A_39 : memref<10240x128xf32, #tpu.memory_space<vmem_shared>>)
        tpu.yield
      }) : () -> ()
    }
    %scan3A_10 = arith.constant 79 : i32
    %barrier3A_11 = arith.constant 0 : index
    tpu.barrier barrier_id(%barrier3A_11)
    %mul3A_12 = arith.constant 640 : i32
    %mul3A_13 = arith.muli %arg1, %mul3A_12 : i32
    %mul3A_14 = arith.constant 640 : i32
    %mul3A_15 = arith.muli %arg1, %mul3A_14 : i32
    "tpu.region"() ({
      %run_scoped3A_16 = tpu.sem_alloc : memref<!tpu.dma_semaphore, #tpu.memory_space<semaphore_mem>>
      %dma_start3A = arith.constant 0 : i32
      %dma_start3A_17 = tpu.memref_slice %arg5[%arg0, %mul3A_15, %dma_start3A] : memref<2x10240x128xf32, #tpu.memory_space<hbm>> -> memref<1x640x128xf32, #tpu.memory_space<hbm>>
      %dma_start3A_18 = tpu.memref_squeeze %dma_start3A_17 : memref<1x640x128xf32, #tpu.memory_space<hbm>> -> memref<640x128xf32, #tpu.memory_space<hbm>>
      %dma_start3A_19 = arith.constant 0 : i32
      %dma_start3A_20 = tpu.memref_slice %arg9[%mul3A_13, %dma_start3A_19] : memref<10240x128xf32, #tpu.memory_space<vmem_shared>> -> memref<640x128xf32, #tpu.memory_space<vmem_shared>>
      tpu.enqueue_dma source(%dma_start3A_20 : memref<640x128xf32, #tpu.memory_space<vmem_shared>>) target(%dma_start3A_18 : memref<640x128xf32, #tpu.memory_space<hbm>>) target_semaphore(%run_scoped3A_16 : memref<!tpu.dma_semaphore, #tpu.memory_space<semaphore_mem>>)
      %dma_wait3A = arith.constant 0 : i32
      %dma_wait3A_21 = tpu.memref_slice %arg5[%arg0, %mul3A_15, %dma_wait3A] : memref<2x10240x128xf32, #tpu.memory_space<hbm>> -> memref<1x640x128xf32, #tpu.memory_space<hbm>>
      %dma_wait3A_22 = tpu.memref_squeeze %dma_wait3A_21 : memref<1x640x128xf32, #tpu.memory_space<hbm>> -> memref<640x128xf32, #tpu.memory_space<hbm>>
      %dma_wait3A_23 = arith.constant 0 : i32
      %dma_wait3A_24 = tpu.memref_slice %arg9[%mul3A_13, %dma_wait3A_23] : memref<10240x128xf32, #tpu.memory_space<vmem_shared>> -> memref<640x128xf32, #tpu.memory_space<vmem_shared>>
      tpu.wait_dma2 semaphore(%run_scoped3A_16 : memref<!tpu.dma_semaphore, #tpu.memory_space<semaphore_mem>>) src(%dma_wait3A_24 : memref<640x128xf32, #tpu.memory_space<vmem_shared>>) dst(%dma_wait3A_22 : memref<640x128xf32, #tpu.memory_space<hbm>>)
      tpu.yield
    }) : () -> ()
    return
  }
}

#map = affine_map<(d0, d1) -> (0, 0)>
#map1 = affine_map<(d0, d1) -> (0, 0, 0, 0)>
#map2 = affine_map<(d0, d1) -> (0, 0, 0)>
module attributes {stable_mosaic.version = 14 : i64} {
  func.func @_edge_kernel_body(%arg0: i32, %arg1: i32, %arg2: memref<10000x128xf32, #tpu.memory_space<hbm>>, %arg3: memref<2x32x79x128xi32, #tpu.memory_space<hbm>>, %arg4: memref<10240x128xf32, #tpu.memory_space<hbm>>, %arg5: memref<2x10240x128xf32, #tpu.memory_space<hbm>>, %arg6: memref<79x128xi32, #tpu.memory_space<vmem>>, %arg7: memref<79x128xi32, #tpu.memory_space<vmem>>, %arg8: memref<128x128xf32, #tpu.memory_space<vmem>>, %arg9: memref<10240x128xf32, #tpu.memory_space<vmem_shared>>, %arg10: memref<!tpu.dma_semaphore, #tpu.memory_space<semaphore_mem>>) attributes {dimension_semantics = [#tpu.dimension_semantics<core_parallel>, #tpu.dimension_semantics<subcore_parallel>], iteration_bounds = array<i64: 2, 16>, scalar_prefetch = 0 : i64, scratch_operands = 5 : i64, tpu.core_type = #tpu.core_type<sc_vector_subcore>, window_params = [{transform_indices = #map}, {transform_indices = #map1}, {transform_indices = #map}, {transform_indices = #map2}]} {
    %mul3A = arith.constant 2 : i32
    %mul3A_0 = arith.muli %arg1, %mul3A : i32
    %add3A = arith.addi %mul3A_0, %arg0 : i32
    %mul3A_1 = arith.constant 640 : i32
    %mul3A_2 = arith.muli %arg1, %mul3A_1 : i32
    %mul3A_3 = arith.constant 640 : i32
    %mul3A_4 = arith.muli %arg1, %mul3A_3 : i32
    "tpu.region"() ({
      %run_scoped3A_16 = tpu.sem_alloc : memref<!tpu.dma_semaphore, #tpu.memory_space<semaphore_mem>>
      %dma_start3A = arith.constant 0 : i32
      %dma_start3A_17 = tpu.memref_slice %arg9[%mul3A_4, %dma_start3A] : memref<10240x128xf32, #tpu.memory_space<vmem_shared>> -> memref<640x128xf32, #tpu.memory_space<vmem_shared>>
      %dma_start3A_18 = arith.constant 0 : i32
      %dma_start3A_19 = tpu.memref_slice %arg4[%mul3A_2, %dma_start3A_18] : memref<10240x128xf32, #tpu.memory_space<hbm>> -> memref<640x128xf32, #tpu.memory_space<hbm>>
      tpu.enqueue_dma source(%dma_start3A_19 : memref<640x128xf32, #tpu.memory_space<hbm>>) target(%dma_start3A_17 : memref<640x128xf32, #tpu.memory_space<vmem_shared>>) target_semaphore(%run_scoped3A_16 : memref<!tpu.dma_semaphore, #tpu.memory_space<semaphore_mem>>)
      %dma_wait3A = arith.constant 0 : i32
      %dma_wait3A_20 = tpu.memref_slice %arg9[%mul3A_4, %dma_wait3A] : memref<10240x128xf32, #tpu.memory_space<vmem_shared>> -> memref<640x128xf32, #tpu.memory_space<vmem_shared>>
      %dma_wait3A_21 = arith.constant 0 : i32
      %dma_wait3A_22 = tpu.memref_slice %arg4[%mul3A_2, %dma_wait3A_21] : memref<10240x128xf32, #tpu.memory_space<hbm>> -> memref<640x128xf32, #tpu.memory_space<hbm>>
      tpu.wait_dma2 semaphore(%run_scoped3A_16 : memref<!tpu.dma_semaphore, #tpu.memory_space<semaphore_mem>>) src(%dma_wait3A_22 : memref<640x128xf32, #tpu.memory_space<hbm>>) dst(%dma_wait3A_20 : memref<640x128xf32, #tpu.memory_space<vmem_shared>>)
      tpu.yield
    }) : () -> ()
    %run_scoped3A = arith.constant 0 : i32
    "tpu.region"() ({
      %run_scoped3A_16 = tpu.sem_alloc : memref<!tpu.dma_semaphore, #tpu.memory_space<semaphore_mem>>
      %dma_start3A = arith.constant 0 : i32
      %dma_start3A_17 = arith.constant 0 : i32
      %dma_start3A_18 = tpu.memref_slice %arg3[%run_scoped3A, %add3A, %dma_start3A, %dma_start3A_17] : memref<2x32x79x128xi32, #tpu.memory_space<hbm>> -> memref<1x1x79x128xi32, #tpu.memory_space<hbm>>
      %dma_start3A_19 = tpu.memref_squeeze %dma_start3A_18 : memref<1x1x79x128xi32, #tpu.memory_space<hbm>> -> memref<79x128xi32, #tpu.memory_space<hbm>>
      %dma_start3A_20 = arith.constant 0 : i32
      %dma_start3A_21 = arith.constant 0 : i32
      %dma_start3A_22 = tpu.memref_slice %arg3[%run_scoped3A, %add3A, %dma_start3A_20, %dma_start3A_21] : memref<2x32x79x128xi32, #tpu.memory_space<hbm>> -> memref<1x1x79x128xi32, #tpu.memory_space<hbm>>
      %dma_start3A_23 = tpu.memref_squeeze %dma_start3A_22 : memref<1x1x79x128xi32, #tpu.memory_space<hbm>> -> memref<79x128xi32, #tpu.memory_space<hbm>>
      tpu.enqueue_dma source(%dma_start3A_23 : memref<79x128xi32, #tpu.memory_space<hbm>>) target(%arg6 : memref<79x128xi32, #tpu.memory_space<vmem>>) target_semaphore(%run_scoped3A_16 : memref<!tpu.dma_semaphore, #tpu.memory_space<semaphore_mem>>)
      %dma_wait3A = arith.constant 0 : i32
      %dma_wait3A_24 = arith.constant 0 : i32
      %dma_wait3A_25 = tpu.memref_slice %arg3[%run_scoped3A, %add3A, %dma_wait3A, %dma_wait3A_24] : memref<2x32x79x128xi32, #tpu.memory_space<hbm>> -> memref<1x1x79x128xi32, #tpu.memory_space<hbm>>
      %dma_wait3A_26 = tpu.memref_squeeze %dma_wait3A_25 : memref<1x1x79x128xi32, #tpu.memory_space<hbm>> -> memref<79x128xi32, #tpu.memory_space<hbm>>
      %dma_wait3A_27 = arith.constant 0 : i32
      %dma_wait3A_28 = arith.constant 0 : i32
      %dma_wait3A_29 = tpu.memref_slice %arg3[%run_scoped3A, %add3A, %dma_wait3A_27, %dma_wait3A_28] : memref<2x32x79x128xi32, #tpu.memory_space<hbm>> -> memref<1x1x79x128xi32, #tpu.memory_space<hbm>>
      %dma_wait3A_30 = tpu.memref_squeeze %dma_wait3A_29 : memref<1x1x79x128xi32, #tpu.memory_space<hbm>> -> memref<79x128xi32, #tpu.memory_space<hbm>>
      tpu.wait_dma2 semaphore(%run_scoped3A_16 : memref<!tpu.dma_semaphore, #tpu.memory_space<semaphore_mem>>) src(%dma_wait3A_30 : memref<79x128xi32, #tpu.memory_space<hbm>>) dst(%arg6 : memref<79x128xi32, #tpu.memory_space<vmem>>)
      tpu.yield
    }) : () -> ()
    %run_scoped3A_5 = arith.constant 1 : i32
    "tpu.region"() ({
      %run_scoped3A_16 = tpu.sem_alloc : memref<!tpu.dma_semaphore, #tpu.memory_space<semaphore_mem>>
      %dma_start3A = arith.constant 0 : i32
      %dma_start3A_17 = arith.constant 0 : i32
      %dma_start3A_18 = tpu.memref_slice %arg3[%run_scoped3A_5, %add3A, %dma_start3A, %dma_start3A_17] : memref<2x32x79x128xi32, #tpu.memory_space<hbm>> -> memref<1x1x79x128xi32, #tpu.memory_space<hbm>>
      %dma_start3A_19 = tpu.memref_squeeze %dma_start3A_18 : memref<1x1x79x128xi32, #tpu.memory_space<hbm>> -> memref<79x128xi32, #tpu.memory_space<hbm>>
      %dma_start3A_20 = arith.constant 0 : i32
      %dma_start3A_21 = arith.constant 0 : i32
      %dma_start3A_22 = tpu.memref_slice %arg3[%run_scoped3A_5, %add3A, %dma_start3A_20, %dma_start3A_21] : memref<2x32x79x128xi32, #tpu.memory_space<hbm>> -> memref<1x1x79x128xi32, #tpu.memory_space<hbm>>
      %dma_start3A_23 = tpu.memref_squeeze %dma_start3A_22 : memref<1x1x79x128xi32, #tpu.memory_space<hbm>> -> memref<79x128xi32, #tpu.memory_space<hbm>>
      tpu.enqueue_dma source(%dma_start3A_23 : memref<79x128xi32, #tpu.memory_space<hbm>>) target(%arg7 : memref<79x128xi32, #tpu.memory_space<vmem>>) target_semaphore(%run_scoped3A_16 : memref<!tpu.dma_semaphore, #tpu.memory_space<semaphore_mem>>)
      %dma_wait3A = arith.constant 0 : i32
      %dma_wait3A_24 = arith.constant 0 : i32
      %dma_wait3A_25 = tpu.memref_slice %arg3[%run_scoped3A_5, %add3A, %dma_wait3A, %dma_wait3A_24] : memref<2x32x79x128xi32, #tpu.memory_space<hbm>> -> memref<1x1x79x128xi32, #tpu.memory_space<hbm>>
      %dma_wait3A_26 = tpu.memref_squeeze %dma_wait3A_25 : memref<1x1x79x128xi32, #tpu.memory_space<hbm>> -> memref<79x128xi32, #tpu.memory_space<hbm>>
      %dma_wait3A_27 = arith.constant 0 : i32
      %dma_wait3A_28 = arith.constant 0 : i32
      %dma_wait3A_29 = tpu.memref_slice %arg3[%run_scoped3A_5, %add3A, %dma_wait3A_27, %dma_wait3A_28] : memref<2x32x79x128xi32, #tpu.memory_space<hbm>> -> memref<1x1x79x128xi32, #tpu.memory_space<hbm>>
      %dma_wait3A_30 = tpu.memref_squeeze %dma_wait3A_29 : memref<1x1x79x128xi32, #tpu.memory_space<hbm>> -> memref<79x128xi32, #tpu.memory_space<hbm>>
      tpu.wait_dma2 semaphore(%run_scoped3A_16 : memref<!tpu.dma_semaphore, #tpu.memory_space<semaphore_mem>>) src(%dma_wait3A_30 : memref<79x128xi32, #tpu.memory_space<hbm>>) dst(%arg7 : memref<79x128xi32, #tpu.memory_space<vmem>>)
      tpu.yield
    }) : () -> ()
    %barrier3A = arith.constant 0 : index
    tpu.barrier barrier_id(%barrier3A)
    %scan3A = arith.constant 0 : i32
    %scan3A_6 = arith.constant 0 : i32
    %scan3A_7 = arith.constant 79 : i32
    %scan3A_8 = arith.addi %scan3A_6, %scan3A_7 : i32
    %scan3A_9 = arith.constant 1 : i32
    scf.for %scan3A_16 = %scan3A_6 to %scan3A_8 step %scan3A_9  : i32 {
      %dma_start3A = arith.constant 0 : i32
      %dma_start3A_17 = tpu.memref_slice %arg6[%scan3A_16, %dma_start3A] : memref<79x128xi32, #tpu.memory_space<vmem>> -> memref<1x128xi32, #tpu.memory_space<vmem>>
      %dma_start3A_18 = tpu.memref_squeeze %dma_start3A_17 : memref<1x128xi32, #tpu.memory_space<vmem>> -> memref<128xi32, #tpu.memory_space<vmem>>
      %dma_start3A_19 = arith.constant 0 : i32
      %dma_start3A_20 = arith.constant 0 : i32
      %dma_start3A_21 = tpu.memref_slice %arg2[%dma_start3A_19, %dma_start3A_20] : memref<10000x128xf32, #tpu.memory_space<hbm>> -> memref<10000x128xf32, #tpu.memory_space<hbm>>
      tpu.enqueue_indirect_dma source(%dma_start3A_21 : memref<10000x128xf32, #tpu.memory_space<hbm>>) target(%arg8 : memref<128x128xf32, #tpu.memory_space<vmem>>) offsets(%dma_start3A_18 : memref<128xi32, #tpu.memory_space<vmem>>) semaphore(%arg10 : memref<!tpu.dma_semaphore, #tpu.memory_space<semaphore_mem>>)
      %dma_wait3A = arith.constant 0 : i32
      %dma_wait3A_22 = tpu.memref_slice %arg6[%scan3A_16, %dma_wait3A] : memref<79x128xi32, #tpu.memory_space<vmem>> -> memref<1x128xi32, #tpu.memory_space<vmem>>
      %dma_wait3A_23 = tpu.memref_squeeze %dma_wait3A_22 : memref<1x128xi32, #tpu.memory_space<vmem>> -> memref<128xi32, #tpu.memory_space<vmem>>
      %dma_wait3A_24 = arith.constant 0 : i32
      %dma_wait3A_25 = arith.constant 0 : i32
      %dma_wait3A_26 = tpu.memref_slice %arg2[%dma_wait3A_24, %dma_wait3A_25] : memref<10000x128xf32, #tpu.memory_space<hbm>> -> memref<10000x128xf32, #tpu.memory_space<hbm>>
      tpu.wait_indirect_dma semaphore(%arg10 : memref<!tpu.dma_semaphore, #tpu.memory_space<semaphore_mem>>) src(%dma_wait3A_26 : memref<10000x128xf32, #tpu.memory_space<hbm>>) dst(%arg8 : memref<128x128xf32, #tpu.memory_space<vmem>>)
      "tpu.region"() ({
        %run_scoped3A_27 = tpu.sem_alloc : memref<!tpu.dma_semaphore, #tpu.memory_space<semaphore_mem>>
        %dma_start3A_28 = arith.constant 0 : i32
        %dma_start3A_29 = tpu.memref_slice %arg7[%scan3A_16, %dma_start3A_28] : memref<79x128xi32, #tpu.memory_space<vmem>> -> memref<1x128xi32, #tpu.memory_space<vmem>>
        %dma_start3A_30 = tpu.memref_squeeze %dma_start3A_29 : memref<1x128xi32, #tpu.memory_space<vmem>> -> memref<128xi32, #tpu.memory_space<vmem>>
        %dma_start3A_31 = arith.constant 0 : i32
        %dma_start3A_32 = arith.constant 0 : i32
        %dma_start3A_33 = tpu.memref_slice %arg9[%dma_start3A_31, %dma_start3A_32] : memref<10240x128xf32, #tpu.memory_space<vmem_shared>> -> memref<10240x128xf32, #tpu.memory_space<vmem_shared>>
        tpu.enqueue_indirect_dma source(%arg8 : memref<128x128xf32, #tpu.memory_space<vmem>>) target(%dma_start3A_33 : memref<10240x128xf32, #tpu.memory_space<vmem_shared>>) offsets(%dma_start3A_30 : memref<128xi32, #tpu.memory_space<vmem>>) semaphore(%run_scoped3A_27 : memref<!tpu.dma_semaphore, #tpu.memory_space<semaphore_mem>>) {add = true}
        %dma_wait3A_34 = arith.constant 0 : i32
        %dma_wait3A_35 = tpu.memref_slice %arg7[%scan3A_16, %dma_wait3A_34] : memref<79x128xi32, #tpu.memory_space<vmem>> -> memref<1x128xi32, #tpu.memory_space<vmem>>
        %dma_wait3A_36 = tpu.memref_squeeze %dma_wait3A_35 : memref<1x128xi32, #tpu.memory_space<vmem>> -> memref<128xi32, #tpu.memory_space<vmem>>
        %dma_wait3A_37 = arith.constant 0 : i32
        %dma_wait3A_38 = arith.constant 0 : i32
        %dma_wait3A_39 = tpu.memref_slice %arg9[%dma_wait3A_37, %dma_wait3A_38] : memref<10240x128xf32, #tpu.memory_space<vmem_shared>> -> memref<10240x128xf32, #tpu.memory_space<vmem_shared>>
        tpu.wait_indirect_dma semaphore(%run_scoped3A_27 : memref<!tpu.dma_semaphore, #tpu.memory_space<semaphore_mem>>) src(%arg8 : memref<128x128xf32, #tpu.memory_space<vmem>>) dst(%dma_wait3A_39 : memref<10240x128xf32, #tpu.memory_space<vmem_shared>>)
        tpu.yield
      }) : () -> ()
    }
    %scan3A_10 = arith.constant 79 : i32
    %barrier3A_11 = arith.constant 0 : index
    tpu.barrier barrier_id(%barrier3A_11)
    %mul3A_12 = arith.constant 640 : i32
    %mul3A_13 = arith.muli %arg1, %mul3A_12 : i32
    %mul3A_14 = arith.constant 640 : i32
    %mul3A_15 = arith.muli %arg1, %mul3A_14 : i32
    "tpu.region"() ({
      %run_scoped3A_16 = tpu.sem_alloc : memref<!tpu.dma_semaphore, #tpu.memory_space<semaphore_mem>>
      %dma_start3A = arith.constant 0 : i32
      %dma_start3A_17 = tpu.memref_slice %arg5[%arg0, %mul3A_15, %dma_start3A] : memref<2x10240x128xf32, #tpu.memory_space<hbm>> -> memref<1x640x128xf32, #tpu.memory_space<hbm>>
      %dma_start3A_18 = tpu.memref_squeeze %dma_start3A_17 : memref<1x640x128xf32, #tpu.memory_space<hbm>> -> memref<640x128xf32, #tpu.memory_space<hbm>>
      %dma_start3A_19 = arith.constant 0 : i32
      %dma_start3A_20 = tpu.memref_slice %arg9[%mul3A_13, %dma_start3A_19] : memref<10240x128xf32, #tpu.memory_space<vmem_shared>> -> memref<640x128xf32, #tpu.memory_space<vmem_shared>>
      tpu.enqueue_dma source(%dma_start3A_20 : memref<640x128xf32, #tpu.memory_space<vmem_shared>>) target(%dma_start3A_18 : memref<640x128xf32, #tpu.memory_space<hbm>>) target_semaphore(%run_scoped3A_16 : memref<!tpu.dma_semaphore, #tpu.memory_space<semaphore_mem>>)
      %dma_wait3A = arith.constant 0 : i32
      %dma_wait3A_21 = tpu.memref_slice %arg5[%arg0, %mul3A_15, %dma_wait3A] : memref<2x10240x128xf32, #tpu.memory_space<hbm>> -> memref<1x640x128xf32, #tpu.memory_space<hbm>>
      %dma_wait3A_22 = tpu.memref_squeeze %dma_wait3A_21 : memref<1x640x128xf32, #tpu.memory_space<hbm>> -> memref<640x128xf32, #tpu.memory_space<hbm>>
      %dma_wait3A_23 = arith.constant 0 : i32
      %dma_wait3A_24 = tpu.memref_slice %arg9[%mul3A_13, %dma_wait3A_23] : memref<10240x128xf32, #tpu.memory_space<vmem_shared>> -> memref<640x128xf32, #tpu.memory_space<vmem_shared>>
      tpu.wait_dma2 semaphore(%run_scoped3A_16 : memref<!tpu.dma_semaphore, #tpu.memory_space<semaphore_mem>>) src(%dma_wait3A_24 : memref<640x128xf32, #tpu.memory_space<vmem_shared>>) dst(%dma_wait3A_22 : memref<640x128xf32, #tpu.memory_space<hbm>>)
      tpu.yield
    }) : () -> ()
    return
  }
}

#map = affine_map<(d0, d1) -> (0, 0, 0)>
#map1 = affine_map<(d0, d1) -> (0, 0)>
module attributes {stable_mosaic.version = 14 : i64} {
  func.func @_cnt_kernel_body(%arg0: i32, %arg1: i32, %arg2: memref<32x79x128xi32, #tpu.memory_space<hbm>>, %arg3: memref<10240x128xf32, #tpu.memory_space<hbm>>, %arg4: memref<128x128xf32, #tpu.memory_space<hbm>>, %arg5: memref<2x10240x128xf32, #tpu.memory_space<hbm>>, %arg6: memref<79x128xi32, #tpu.memory_space<vmem>>, %arg7: memref<128x128xf32, #tpu.memory_space<vmem>>, %arg8: memref<10240x128xf32, #tpu.memory_space<vmem_shared>>) attributes {dimension_semantics = [#tpu.dimension_semantics<core_parallel>, #tpu.dimension_semantics<subcore_parallel>], iteration_bounds = array<i64: 2, 16>, scalar_prefetch = 0 : i64, scratch_operands = 3 : i64, tpu.core_type = #tpu.core_type<sc_vector_subcore>, window_params = [{transform_indices = #map}, {transform_indices = #map1}, {transform_indices = #map1}, {transform_indices = #map}]} {
    %mul3A = arith.constant 2 : i32
    %mul3A_0 = arith.muli %arg1, %mul3A : i32
    %add3A = arith.addi %mul3A_0, %arg0 : i32
    %mul3A_1 = arith.constant 640 : i32
    %mul3A_2 = arith.muli %arg1, %mul3A_1 : i32
    %mul3A_3 = arith.constant 640 : i32
    %mul3A_4 = arith.muli %arg1, %mul3A_3 : i32
    "tpu.region"() ({
      %run_scoped3A = tpu.sem_alloc : memref<!tpu.dma_semaphore, #tpu.memory_space<semaphore_mem>>
      %dma_start3A = arith.constant 0 : i32
      %dma_start3A_15 = tpu.memref_slice %arg8[%mul3A_4, %dma_start3A] : memref<10240x128xf32, #tpu.memory_space<vmem_shared>> -> memref<640x128xf32, #tpu.memory_space<vmem_shared>>
      %dma_start3A_16 = arith.constant 0 : i32
      %dma_start3A_17 = tpu.memref_slice %arg3[%mul3A_2, %dma_start3A_16] : memref<10240x128xf32, #tpu.memory_space<hbm>> -> memref<640x128xf32, #tpu.memory_space<hbm>>
      tpu.enqueue_dma source(%dma_start3A_17 : memref<640x128xf32, #tpu.memory_space<hbm>>) target(%dma_start3A_15 : memref<640x128xf32, #tpu.memory_space<vmem_shared>>) target_semaphore(%run_scoped3A : memref<!tpu.dma_semaphore, #tpu.memory_space<semaphore_mem>>)
      %dma_wait3A = arith.constant 0 : i32
      %dma_wait3A_18 = tpu.memref_slice %arg8[%mul3A_4, %dma_wait3A] : memref<10240x128xf32, #tpu.memory_space<vmem_shared>> -> memref<640x128xf32, #tpu.memory_space<vmem_shared>>
      %dma_wait3A_19 = arith.constant 0 : i32
      %dma_wait3A_20 = tpu.memref_slice %arg3[%mul3A_2, %dma_wait3A_19] : memref<10240x128xf32, #tpu.memory_space<hbm>> -> memref<640x128xf32, #tpu.memory_space<hbm>>
      tpu.wait_dma2 semaphore(%run_scoped3A : memref<!tpu.dma_semaphore, #tpu.memory_space<semaphore_mem>>) src(%dma_wait3A_20 : memref<640x128xf32, #tpu.memory_space<hbm>>) dst(%dma_wait3A_18 : memref<640x128xf32, #tpu.memory_space<vmem_shared>>)
      tpu.yield
    }) : () -> ()
    "tpu.region"() ({
      %run_scoped3A = tpu.sem_alloc : memref<!tpu.dma_semaphore, #tpu.memory_space<semaphore_mem>>
      tpu.enqueue_dma source(%arg4 : memref<128x128xf32, #tpu.memory_space<hbm>>) target(%arg7 : memref<128x128xf32, #tpu.memory_space<vmem>>) target_semaphore(%run_scoped3A : memref<!tpu.dma_semaphore, #tpu.memory_space<semaphore_mem>>)
      tpu.wait_dma2 semaphore(%run_scoped3A : memref<!tpu.dma_semaphore, #tpu.memory_space<semaphore_mem>>) src(%arg4 : memref<128x128xf32, #tpu.memory_space<hbm>>) dst(%arg7 : memref<128x128xf32, #tpu.memory_space<vmem>>)
      tpu.yield
    }) : () -> ()
    "tpu.region"() ({
      %run_scoped3A = tpu.sem_alloc : memref<!tpu.dma_semaphore, #tpu.memory_space<semaphore_mem>>
      %dma_start3A = arith.constant 0 : i32
      %dma_start3A_15 = arith.constant 0 : i32
      %dma_start3A_16 = tpu.memref_slice %arg2[%add3A, %dma_start3A, %dma_start3A_15] : memref<32x79x128xi32, #tpu.memory_space<hbm>> -> memref<1x79x128xi32, #tpu.memory_space<hbm>>
      %dma_start3A_17 = tpu.memref_squeeze %dma_start3A_16 : memref<1x79x128xi32, #tpu.memory_space<hbm>> -> memref<79x128xi32, #tpu.memory_space<hbm>>
      %dma_start3A_18 = arith.constant 0 : i32
      %dma_start3A_19 = arith.constant 0 : i32
      %dma_start3A_20 = tpu.memref_slice %arg2[%add3A, %dma_start3A_18, %dma_start3A_19] : memref<32x79x128xi32, #tpu.memory_space<hbm>> -> memref<1x79x128xi32, #tpu.memory_space<hbm>>
      %dma_start3A_21 = tpu.memref_squeeze %dma_start3A_20 : memref<1x79x128xi32, #tpu.memory_space<hbm>> -> memref<79x128xi32, #tpu.memory_space<hbm>>
      tpu.enqueue_dma source(%dma_start3A_21 : memref<79x128xi32, #tpu.memory_space<hbm>>) target(%arg6 : memref<79x128xi32, #tpu.memory_space<vmem>>) target_semaphore(%run_scoped3A : memref<!tpu.dma_semaphore, #tpu.memory_space<semaphore_mem>>)
      %dma_wait3A = arith.constant 0 : i32
      %dma_wait3A_22 = arith.constant 0 : i32
      %dma_wait3A_23 = tpu.memref_slice %arg2[%add3A, %dma_wait3A, %dma_wait3A_22] : memref<32x79x128xi32, #tpu.memory_space<hbm>> -> memref<1x79x128xi32, #tpu.memory_space<hbm>>
      %dma_wait3A_24 = tpu.memref_squeeze %dma_wait3A_23 : memref<1x79x128xi32, #tpu.memory_space<hbm>> -> memref<79x128xi32, #tpu.memory_space<hbm>>
      %dma_wait3A_25 = arith.constant 0 : i32
      %dma_wait3A_26 = arith.constant 0 : i32
      %dma_wait3A_27 = tpu.memref_slice %arg2[%add3A, %dma_wait3A_25, %dma_wait3A_26] : memref<32x79x128xi32, #tpu.memory_space<hbm>> -> memref<1x79x128xi32, #tpu.memory_space<hbm>>
      %dma_wait3A_28 = tpu.memref_squeeze %dma_wait3A_27 : memref<1x79x128xi32, #tpu.memory_space<hbm>> -> memref<79x128xi32, #tpu.memory_space<hbm>>
      tpu.wait_dma2 semaphore(%run_scoped3A : memref<!tpu.dma_semaphore, #tpu.memory_space<semaphore_mem>>) src(%dma_wait3A_28 : memref<79x128xi32, #tpu.memory_space<hbm>>) dst(%arg6 : memref<79x128xi32, #tpu.memory_space<vmem>>)
      tpu.yield
    }) : () -> ()
    %barrier3A = arith.constant 0 : index
    tpu.barrier barrier_id(%barrier3A)
    %scan3A = arith.constant 0 : i32
    %scan3A_5 = arith.constant 0 : i32
    %scan3A_6 = arith.constant 79 : i32
    %scan3A_7 = arith.addi %scan3A_5, %scan3A_6 : i32
    %scan3A_8 = arith.constant 1 : i32
    scf.for %scan3A_15 = %scan3A_5 to %scan3A_7 step %scan3A_8  : i32 {
      "tpu.region"() ({
        %run_scoped3A = tpu.sem_alloc : memref<!tpu.dma_semaphore, #tpu.memory_space<semaphore_mem>>
        %dma_start3A = arith.constant 0 : i32
        %dma_start3A_16 = tpu.memref_slice %arg6[%scan3A_15, %dma_start3A] : memref<79x128xi32, #tpu.memory_space<vmem>> -> memref<1x128xi32, #tpu.memory_space<vmem>>
        %dma_start3A_17 = tpu.memref_squeeze %dma_start3A_16 : memref<1x128xi32, #tpu.memory_space<vmem>> -> memref<128xi32, #tpu.memory_space<vmem>>
        %dma_start3A_18 = arith.constant 0 : i32
        %dma_start3A_19 = arith.constant 0 : i32
        %dma_start3A_20 = tpu.memref_slice %arg8[%dma_start3A_18, %dma_start3A_19] : memref<10240x128xf32, #tpu.memory_space<vmem_shared>> -> memref<10240x128xf32, #tpu.memory_space<vmem_shared>>
        tpu.enqueue_indirect_dma source(%arg7 : memref<128x128xf32, #tpu.memory_space<vmem>>) target(%dma_start3A_20 : memref<10240x128xf32, #tpu.memory_space<vmem_shared>>) offsets(%dma_start3A_17 : memref<128xi32, #tpu.memory_space<vmem>>) semaphore(%run_scoped3A : memref<!tpu.dma_semaphore, #tpu.memory_space<semaphore_mem>>) {add = true}
        %dma_wait3A = arith.constant 0 : i32
        %dma_wait3A_21 = tpu.memref_slice %arg6[%scan3A_15, %dma_wait3A] : memref<79x128xi32, #tpu.memory_space<vmem>> -> memref<1x128xi32, #tpu.memory_space<vmem>>
        %dma_wait3A_22 = tpu.memref_squeeze %dma_wait3A_21 : memref<1x128xi32, #tpu.memory_space<vmem>> -> memref<128xi32, #tpu.memory_space<vmem>>
        %dma_wait3A_23 = arith.constant 0 : i32
        %dma_wait3A_24 = arith.constant 0 : i32
        %dma_wait3A_25 = tpu.memref_slice %arg8[%dma_wait3A_23, %dma_wait3A_24] : memref<10240x128xf32, #tpu.memory_space<vmem_shared>> -> memref<10240x128xf32, #tpu.memory_space<vmem_shared>>
        tpu.wait_indirect_dma semaphore(%run_scoped3A : memref<!tpu.dma_semaphore, #tpu.memory_space<semaphore_mem>>) src(%arg7 : memref<128x128xf32, #tpu.memory_space<vmem>>) dst(%dma_wait3A_25 : memref<10240x128xf32, #tpu.memory_space<vmem_shared>>)
        tpu.yield
      }) : () -> ()
    }
    %scan3A_9 = arith.constant 79 : i32
    %barrier3A_10 = arith.constant 0 : index
    tpu.barrier barrier_id(%barrier3A_10)
    %mul3A_11 = arith.constant 640 : i32
    %mul3A_12 = arith.muli %arg1, %mul3A_11 : i32
    %mul3A_13 = arith.constant 640 : i32
    %mul3A_14 = arith.muli %arg1, %mul3A_13 : i32
    "tpu.region"() ({
      %run_scoped3A = tpu.sem_alloc : memref<!tpu.dma_semaphore, #tpu.memory_space<semaphore_mem>>
      %dma_start3A = arith.constant 0 : i32
      %dma_start3A_15 = tpu.memref_slice %arg5[%arg0, %mul3A_14, %dma_start3A] : memref<2x10240x128xf32, #tpu.memory_space<hbm>> -> memref<1x640x128xf32, #tpu.memory_space<hbm>>
      %dma_start3A_16 = tpu.memref_squeeze %dma_start3A_15 : memref<1x640x128xf32, #tpu.memory_space<hbm>> -> memref<640x128xf32, #tpu.memory_space<hbm>>
      %dma_start3A_17 = arith.constant 0 : i32
      %dma_start3A_18 = tpu.memref_slice %arg8[%mul3A_12, %dma_start3A_17] : memref<10240x128xf32, #tpu.memory_space<vmem_shared>> -> memref<640x128xf32, #tpu.memory_space<vmem_shared>>
      tpu.enqueue_dma source(%dma_start3A_18 : memref<640x128xf32, #tpu.memory_space<vmem_shared>>) target(%dma_start3A_16 : memref<640x128xf32, #tpu.memory_space<hbm>>) target_semaphore(%run_scoped3A : memref<!tpu.dma_semaphore, #tpu.memory_space<semaphore_mem>>)
      %dma_wait3A = arith.constant 0 : i32
      %dma_wait3A_19 = tpu.memref_slice %arg5[%arg0, %mul3A_14, %dma_wait3A] : memref<2x10240x128xf32, #tpu.memory_space<hbm>> -> memref<1x640x128xf32, #tpu.memory_space<hbm>>
      %dma_wait3A_20 = tpu.memref_squeeze %dma_wait3A_19 : memref<1x640x128xf32, #tpu.memory_space<hbm>> -> memref<640x128xf32, #tpu.memory_space<hbm>>
      %dma_wait3A_21 = arith.constant 0 : i32
      %dma_wait3A_22 = tpu.memref_slice %arg8[%mul3A_12, %dma_wait3A_21] : memref<10240x128xf32, #tpu.memory_space<vmem_shared>> -> memref<640x128xf32, #tpu.memory_space<vmem_shared>>
      tpu.wait_dma2 semaphore(%run_scoped3A : memref<!tpu.dma_semaphore, #tpu.memory_space<semaphore_mem>>) src(%dma_wait3A_22 : memref<640x128xf32, #tpu.memory_space<vmem_shared>>) dst(%dma_wait3A_20 : memref<640x128xf32, #tpu.memory_space<hbm>>)
      tpu.yield
    }) : () -> ()
    return
  }
}

module attributes {stable_mosaic.version = 14 : i64} {
  func.func @_proj_body(%arg0: i32, %arg1: memref<1000x128xf32, #tpu.memory_space<vmem>>, %arg2: memref<128x128xf32, #tpu.memory_space<vmem>>, %arg3: memref<1x128xf32, #tpu.memory_space<vmem>>, %arg4: memref<1000x128xf32, #tpu.memory_space<vmem>>) attributes {dimension_semantics = [#tpu.dimension_semantics<arbitrary>], iteration_bounds = array<i64: 10>, scalar_prefetch = 0 : i64, scratch_operands = 0 : i64, tpu.core_type = #tpu.core_type<tc>, window_params = [{transform_indices = @transform_0, window_bounds = array<i64: 1000, 128>}, {pipeline_mode = #tpu.pipeline_mode<synchronous>, transform_indices = @transform_1, window_bounds = array<i64: 128, 128>}, {pipeline_mode = #tpu.pipeline_mode<synchronous>, transform_indices = @transform_2, window_bounds = array<i64: 1, 128>}, {transform_indices = @transform_3, window_bounds = array<i64: 1000, 128>}]} {
    %get3A = arith.constant 0 : index
    %get3A_0 = arith.constant 0 : index
    %get3A_1 = vector.load %arg1[%get3A, %get3A_0] : memref<1000x128xf32, #tpu.memory_space<vmem>>, vector<1000x128xf32>
    %get3A_2 = arith.constant 0 : index
    %get3A_3 = arith.constant 0 : index
    %get3A_4 = vector.load %arg2[%get3A_2, %get3A_3] : memref<128x128xf32, #tpu.memory_space<vmem>>, vector<128x128xf32>
    %dot_general3A = arith.constant dense<0.000000e+00> : vector<1000x128xf32>
    %dot_general3A_5 = tpu.matmul %get3A_1, %get3A_4, %dot_general3A {dimension_numbers = #tpu.dot_dimension_numbers<[1], [1], [0], [0], [0, 0, 1, 0], [], []>, transpose_lhs_hint = false} : vector<1000x128xf32>, vector<128x128xf32>, vector<1000x128xf32> -> vector<1000x128xf32>
    %get3A_6 = arith.constant 0 : index
    %get3A_7 = arith.constant 0 : index
    %get3A_8 = vector.load %arg3[%get3A_6, %get3A_7] : memref<1x128xf32, #tpu.memory_space<vmem>>, vector<1x128xf32>
    %add3A = vector.broadcast %get3A_8 : vector<1x128xf32> to vector<1000x128xf32>
    %add3A_9 = arith.addf %dot_general3A_5, %add3A : vector<1000x128xf32>
    %max3A = arith.constant 0.000000e+00 : f32
    %max3A_10 = vector.broadcast %max3A : f32 to vector<1000x128xf32>
    %max3A_11 = arith.maximumf %add3A_9, %max3A_10 : vector<1000x128xf32>
    %swap3A = arith.constant 0 : index
    %swap3A_12 = arith.constant 0 : index
    %swap3A_13 = vector.load %arg4[%swap3A, %swap3A_12] : memref<1000x128xf32, #tpu.memory_space<vmem>>, vector<1000x128xf32>
    tpu.vector_store %arg4[%swap3A, %swap3A_12], %max3A_11 {strides = array<i32>} : memref<1000x128xf32, #tpu.memory_space<vmem>>, vector<1000x128xf32>,
    return
  }
  func.func @transform_0(%arg0: i32) -> (i32, i32) {
    %c0_i32 = arith.constant 0 : i32
    %c0_i32_0 = arith.constant 0 : i32
    return %arg0, %c0_i32 : i32, i32
  }
  func.func @transform_1(%arg0: i32) -> (i32, i32) {
    %c0_i32 = arith.constant 0 : i32
    %c0_i32_0 = arith.constant 0 : i32
    %c0_i32_1 = arith.constant 0 : i32
    return %c0_i32, %c0_i32_0 : i32, i32
  }
  func.func @transform_2(%arg0: i32) -> (i32, i32) {
    %c0_i32 = arith.constant 0 : i32
    %c0_i32_0 = arith.constant 0 : i32
    %c0_i32_1 = arith.constant 0 : i32
    return %c0_i32, %c0_i32_0 : i32, i32
  }
  func.func @transform_3(%arg0: i32) -> (i32, i32) {
    %c0_i32 = arith.constant 0 : i32
    %c0_i32_0 = arith.constant 0 : i32
    return %arg0, %c0_i32 : i32, i32
  }
}

module attributes {stable_mosaic.version = 14 : i64} {
  func.func @_combine_body(%arg0: i32, %arg1: memref<2x1000x128xf32, #tpu.memory_space<vmem>>, %arg2: memref<2x1000x128xf32, #tpu.memory_space<vmem>>, %arg3: memref<1000x128xf32, #tpu.memory_space<vmem>>, %arg4: memref<128x128xf32, #tpu.memory_space<vmem>>, %arg5: memref<1x128xf32, #tpu.memory_space<vmem>>, %arg6: memref<128x128xf32, #tpu.memory_space<vmem>>, %arg7: memref<1x128xf32, #tpu.memory_space<vmem>>, %arg8: memref<1x128xf32, #tpu.memory_space<vmem>>, %arg9: memref<1000x128xf32, #tpu.memory_space<vmem>>) attributes {dimension_semantics = [#tpu.dimension_semantics<arbitrary>], iteration_bounds = array<i64: 10>, scalar_prefetch = 0 : i64, scratch_operands = 0 : i64, tpu.core_type = #tpu.core_type<tc>, window_params = [{transform_indices = @transform_0, window_bounds = array<i64: 2, 1000, 128>}, {transform_indices = @transform_1, window_bounds = array<i64: 2, 1000, 128>}, {transform_indices = @transform_2, window_bounds = array<i64: 1000, 128>}, {pipeline_mode = #tpu.pipeline_mode<synchronous>, transform_indices = @transform_3, window_bounds = array<i64: 128, 128>}, {pipeline_mode = #tpu.pipeline_mode<synchronous>, transform_indices = @transform_4, window_bounds = array<i64: 1, 128>}, {pipeline_mode = #tpu.pipeline_mode<synchronous>, transform_indices = @transform_5, window_bounds = array<i64: 128, 128>}, {pipeline_mode = #tpu.pipeline_mode<synchronous>, transform_indices = @transform_6, window_bounds = array<i64: 1, 128>}, {pipeline_mode = #tpu.pipeline_mode<synchronous>, transform_indices = @transform_7, window_bounds = array<i64: 1, 128>}, {transform_indices = @transform_8, window_bounds = array<i64: 1000, 128>}]} {
    %get3A = arith.constant 0 : index
    %get3A_0 = arith.constant 0 : index
    %get3A_1 = arith.constant 0 : index
    %get3A_2 = vector.load %arg1[%get3A, %get3A_0, %get3A_1] : memref<2x1000x128xf32, #tpu.memory_space<vmem>>, vector<1x1000x128xf32>
    %get3A_3 = vector.shape_cast %get3A_2 : vector<1x1000x128xf32> to vector<1000x128xf32>
    %get3A_4 = arith.constant 1 : index
    %get3A_5 = arith.constant 0 : index
    %get3A_6 = arith.constant 0 : index
    %get3A_7 = vector.load %arg1[%get3A_4, %get3A_5, %get3A_6] : memref<2x1000x128xf32, #tpu.memory_space<vmem>>, vector<1x1000x128xf32>
    %get3A_8 = vector.shape_cast %get3A_7 : vector<1x1000x128xf32> to vector<1000x128xf32>
    %add3A = arith.addf %get3A_3, %get3A_8 : vector<1000x128xf32>
    %get3A_9 = arith.constant 0 : index
    %get3A_10 = arith.constant 0 : index
    %get3A_11 = arith.constant 0 : index
    %get3A_12 = vector.load %arg2[%get3A_9, %get3A_10, %get3A_11] : memref<2x1000x128xf32, #tpu.memory_space<vmem>>, vector<1x1000x1xf32>
    %get3A_13 = vector.shape_cast %get3A_12 : vector<1x1000x1xf32> to vector<1000x1xf32>
    %get3A_14 = arith.constant 1 : index
    %get3A_15 = arith.constant 0 : index
    %get3A_16 = arith.constant 0 : index
    %get3A_17 = vector.load %arg2[%get3A_14, %get3A_15, %get3A_16] : memref<2x1000x128xf32, #tpu.memory_space<vmem>>, vector<1x1000x1xf32>
    %get3A_18 = vector.shape_cast %get3A_17 : vector<1x1000x1xf32> to vector<1000x1xf32>
    %add3A_19 = arith.addf %get3A_13, %get3A_18 : vector<1000x1xf32>
    %max3A = arith.constant 1.000000e+00 : f32
    %max3A_20 = vector.broadcast %max3A : f32 to vector<1000x1xf32>
    %max3A_21 = arith.maximumf %add3A_19, %max3A_20 : vector<1000x1xf32>
    %div3A = vector.broadcast %max3A_21 : vector<1000x1xf32> to vector<1000x128xf32>
    %div3A_22 = arith.divf %add3A, %div3A : vector<1000x128xf32>
    %get3A_23 = arith.constant 0 : index
    %get3A_24 = arith.constant 0 : index
    %get3A_25 = vector.load %arg4[%get3A_23, %get3A_24] : memref<128x128xf32, #tpu.memory_space<vmem>>, vector<128x128xf32>
    %dot_general3A = arith.constant dense<0.000000e+00> : vector<1000x128xf32>
    %dot_general3A_26 = tpu.matmul %div3A_22, %get3A_25, %dot_general3A {dimension_numbers = #tpu.dot_dimension_numbers<[1], [1], [0], [0], [0, 0, 1, 0], [], []>, transpose_lhs_hint = false} : vector<1000x128xf32>, vector<128x128xf32>, vector<1000x128xf32> -> vector<1000x128xf32>
    %get3A_27 = arith.constant 0 : index
    %get3A_28 = arith.constant 0 : index
    %get3A_29 = vector.load %arg5[%get3A_27, %get3A_28] : memref<1x128xf32, #tpu.memory_space<vmem>>, vector<1x128xf32>
    %add3A_30 = vector.broadcast %get3A_29 : vector<1x128xf32> to vector<1000x128xf32>
    %add3A_31 = arith.addf %dot_general3A_26, %add3A_30 : vector<1000x128xf32>
    %get3A_32 = arith.constant 0 : index
    %get3A_33 = arith.constant 0 : index
    %get3A_34 = vector.load %arg3[%get3A_32, %get3A_33] : memref<1000x128xf32, #tpu.memory_space<vmem>>, vector<1000x128xf32>
    %get3A_35 = arith.constant 0 : index
    %get3A_36 = arith.constant 0 : index
    %get3A_37 = vector.load %arg6[%get3A_35, %get3A_36] : memref<128x128xf32, #tpu.memory_space<vmem>>, vector<128x128xf32>
    %dot_general3A_38 = arith.constant dense<0.000000e+00> : vector<1000x128xf32>
    %dot_general3A_39 = tpu.matmul %get3A_34, %get3A_37, %dot_general3A_38 {dimension_numbers = #tpu.dot_dimension_numbers<[1], [1], [0], [0], [0, 0, 1, 0], [], []>, transpose_lhs_hint = false} : vector<1000x128xf32>, vector<128x128xf32>, vector<1000x128xf32> -> vector<1000x128xf32>
    %add3A_40 = arith.addf %add3A_31, %dot_general3A_39 : vector<1000x128xf32>
    %reduce_sum3A = arith.constant dense<0.000000e+00> : vector<1000xf32>
    %reduce_sum3A_41 = vector.multi_reduction <add>, %add3A_40, %reduce_sum3A [1] : vector<1000x128xf32> to vector<1000xf32>
    %broadcast_in_dim3A = vector.shape_cast %reduce_sum3A_41 : vector<1000xf32> to vector<1000x1xf32>
    %div3A_42 = arith.constant 1.280000e+02 : f32
    %div3A_43 = vector.broadcast %div3A_42 : f32 to vector<1000x1xf32>
    %div3A_44 = arith.divf %broadcast_in_dim3A, %div3A_43 : vector<1000x1xf32>
    %sub3A = vector.broadcast %div3A_44 : vector<1000x1xf32> to vector<1000x128xf32>
    %sub3A_45 = arith.subf %add3A_40, %sub3A : vector<1000x128xf32>
    %sub3A_46 = vector.broadcast %div3A_44 : vector<1000x1xf32> to vector<1000x128xf32>
    %sub3A_47 = arith.subf %add3A_40, %sub3A_46 : vector<1000x128xf32>
    %mul3A = arith.mulf %sub3A_45, %sub3A_47 : vector<1000x128xf32>
    %reduce_sum3A_48 = arith.constant dense<0.000000e+00> : vector<1000xf32>
    %reduce_sum3A_49 = vector.multi_reduction <add>, %mul3A, %reduce_sum3A_48 [1] : vector<1000x128xf32> to vector<1000xf32>
    %broadcast_in_dim3A_50 = vector.shape_cast %reduce_sum3A_49 : vector<1000xf32> to vector<1000x1xf32>
    %div3A_51 = arith.constant 1.280000e+02 : f32
    %div3A_52 = vector.broadcast %div3A_51 : f32 to vector<1000x1xf32>
    %div3A_53 = arith.divf %broadcast_in_dim3A_50, %div3A_52 : vector<1000x1xf32>
    %sub3A_54 = vector.broadcast %div3A_44 : vector<1000x1xf32> to vector<1000x128xf32>
    %sub3A_55 = arith.subf %add3A_40, %sub3A_54 : vector<1000x128xf32>
    %add3A_56 = arith.constant 9.99999974E-6 : f32
    %add3A_57 = vector.broadcast %add3A_56 : f32 to vector<1000x1xf32>
    %add3A_58 = arith.addf %div3A_53, %add3A_57 : vector<1000x1xf32>
    %rsqrt3A = math.rsqrt %add3A_58 : vector<1000x1xf32>
    %mul3A_59 = vector.broadcast %rsqrt3A : vector<1000x1xf32> to vector<1000x128xf32>
    %mul3A_60 = arith.mulf %sub3A_55, %mul3A_59 : vector<1000x128xf32>
    %get3A_61 = arith.constant 0 : index
    %get3A_62 = arith.constant 0 : index
    %get3A_63 = vector.load %arg7[%get3A_61, %get3A_62] : memref<1x128xf32, #tpu.memory_space<vmem>>, vector<1x128xf32>
    %mul3A_64 = vector.broadcast %get3A_63 : vector<1x128xf32> to vector<1000x128xf32>
    %mul3A_65 = arith.mulf %mul3A_60, %mul3A_64 : vector<1000x128xf32>
    %get3A_66 = arith.constant 0 : index
    %get3A_67 = arith.constant 0 : index
    %get3A_68 = vector.load %arg8[%get3A_66, %get3A_67] : memref<1x128xf32, #tpu.memory_space<vmem>>, vector<1x128xf32>
    %add3A_69 = vector.broadcast %get3A_68 : vector<1x128xf32> to vector<1000x128xf32>
    %add3A_70 = arith.addf %mul3A_65, %add3A_69 : vector<1000x128xf32>
    %swap3A = arith.constant 0 : index
    %swap3A_71 = arith.constant 0 : index
    %swap3A_72 = vector.load %arg9[%swap3A, %swap3A_71] : memref<1000x128xf32, #tpu.memory_space<vmem>>, vector<1000x128xf32>
    tpu.vector_store %arg9[%swap3A, %swap3A_71], %add3A_70 {strides = array<i32>} : memref<1000x128xf32, #tpu.memory_space<vmem>>, vector<1000x128xf32>,
    return
  }
  func.func @transform_0(%arg0: i32) -> (i32, i32, i32) {
    %c0_i32 = arith.constant 0 : i32
    %c0_i32_0 = arith.constant 0 : i32
    %c0_i32_1 = arith.constant 0 : i32
    return %c0_i32, %arg0, %c0_i32_0 : i32, i32, i32
  }
  func.func @transform_1(%arg0: i32) -> (i32, i32, i32) {
    %c0_i32 = arith.constant 0 : i32
    %c0_i32_0 = arith.constant 0 : i32
    %c0_i32_1 = arith.constant 0 : i32
    return %c0_i32, %arg0, %c0_i32_0 : i32, i32, i32
  }
  func.func @transform_2(%arg0: i32) -> (i32, i32) {
    %c0_i32 = arith.constant 0 : i32
    %c0_i32_0 = arith.constant 0 : i32
    return %arg0, %c0_i32 : i32, i32
  }
  func.func @transform_3(%arg0: i32) -> (i32, i32) {
    %c0_i32 = arith.constant 0 : i32
    %c0_i32_0 = arith.constant 0 : i32
    %c0_i32_1 = arith.constant 0 : i32
    return %c0_i32, %c0_i32_0 : i32, i32
  }
  func.func @transform_4(%arg0: i32) -> (i32, i32) {
    %c0_i32 = arith.constant 0 : i32
    %c0_i32_0 = arith.constant 0 : i32
    %c0_i32_1 = arith.constant 0 : i32
    return %c0_i32, %c0_i32_0 : i32, i32
  }
  func.func @transform_5(%arg0: i32) -> (i32, i32) {
    %c0_i32 = arith.constant 0 : i32
    %c0_i32_0 = arith.constant 0 : i32
    %c0_i32_1 = arith.constant 0 : i32
    return %c0_i32, %c0_i32_0 : i32, i32
  }
  func.func @transform_6(%arg0: i32) -> (i32, i32) {
    %c0_i32 = arith.constant 0 : i32
    %c0_i32_0 = arith.constant 0 : i32
    %c0_i32_1 = arith.constant 0 : i32
    return %c0_i32, %c0_i32_0 : i32, i32
  }
  func.func @transform_7(%arg0: i32) -> (i32, i32) {
    %c0_i32 = arith.constant 0 : i32
    %c0_i32_0 = arith.constant 0 : i32
    %c0_i32_1 = arith.constant 0 : i32
    return %c0_i32, %c0_i32_0 : i32, i32
  }
  func.func @transform_8(%arg0: i32) -> (i32, i32) {
    %c0_i32 = arith.constant 0 : i32
    %c0_i32_0 = arith.constant 0 : i32
    return %arg0, %c0_i32 : i32, i32
  }
}

module attributes {stable_mosaic.version = 14 : i64} {
  func.func @_combine_body(%arg0: i32, %arg1: memref<2x1000x128xf32, #tpu.memory_space<vmem>>, %arg2: memref<2x1000x128xf32, #tpu.memory_space<vmem>>, %arg3: memref<1000x128xf32, #tpu.memory_space<vmem>>, %arg4: memref<128x128xf32, #tpu.memory_space<vmem>>, %arg5: memref<1x128xf32, #tpu.memory_space<vmem>>, %arg6: memref<128x128xf32, #tpu.memory_space<vmem>>, %arg7: memref<1x128xf32, #tpu.memory_space<vmem>>, %arg8: memref<1x128xf32, #tpu.memory_space<vmem>>, %arg9: memref<128x128xf32, #tpu.memory_space<vmem>>, %arg10: memref<1x128xf32, #tpu.memory_space<vmem>>, %arg11: memref<1000x128xf32, #tpu.memory_space<vmem>>, %arg12: memref<1000x128xf32, #tpu.memory_space<vmem>>) attributes {dimension_semantics = [#tpu.dimension_semantics<arbitrary>], iteration_bounds = array<i64: 10>, scalar_prefetch = 0 : i64, scratch_operands = 0 : i64, tpu.core_type = #tpu.core_type<tc>, window_params = [{transform_indices = @transform_0, window_bounds = array<i64: 2, 1000, 128>}, {transform_indices = @transform_1, window_bounds = array<i64: 2, 1000, 128>}, {transform_indices = @transform_2, window_bounds = array<i64: 1000, 128>}, {pipeline_mode = #tpu.pipeline_mode<synchronous>, transform_indices = @transform_3, window_bounds = array<i64: 128, 128>}, {pipeline_mode = #tpu.pipeline_mode<synchronous>, transform_indices = @transform_4, window_bounds = array<i64: 1, 128>}, {pipeline_mode = #tpu.pipeline_mode<synchronous>, transform_indices = @transform_5, window_bounds = array<i64: 128, 128>}, {pipeline_mode = #tpu.pipeline_mode<synchronous>, transform_indices = @transform_6, window_bounds = array<i64: 1, 128>}, {pipeline_mode = #tpu.pipeline_mode<synchronous>, transform_indices = @transform_7, window_bounds = array<i64: 1, 128>}, {pipeline_mode = #tpu.pipeline_mode<synchronous>, transform_indices = @transform_8, window_bounds = array<i64: 128, 128>}, {pipeline_mode = #tpu.pipeline_mode<synchronous>, transform_indices = @transform_9, window_bounds = array<i64: 1, 128>}, {transform_indices = @transform_10, window_bounds = array<i64: 1000, 128>}, {transform_indices = @transform_11, window_bounds = array<i64: 1000, 128>}]} {
    %get3A = arith.constant 0 : index
    %get3A_0 = arith.constant 0 : index
    %get3A_1 = arith.constant 0 : index
    %get3A_2 = vector.load %arg1[%get3A, %get3A_0, %get3A_1] : memref<2x1000x128xf32, #tpu.memory_space<vmem>>, vector<1x1000x128xf32>
    %get3A_3 = vector.shape_cast %get3A_2 : vector<1x1000x128xf32> to vector<1000x128xf32>
    %get3A_4 = arith.constant 1 : index
    %get3A_5 = arith.constant 0 : index
    %get3A_6 = arith.constant 0 : index
    %get3A_7 = vector.load %arg1[%get3A_4, %get3A_5, %get3A_6] : memref<2x1000x128xf32, #tpu.memory_space<vmem>>, vector<1x1000x128xf32>
    %get3A_8 = vector.shape_cast %get3A_7 : vector<1x1000x128xf32> to vector<1000x128xf32>
    %add3A = arith.addf %get3A_3, %get3A_8 : vector<1000x128xf32>
    %get3A_9 = arith.constant 0 : index
    %get3A_10 = arith.constant 0 : index
    %get3A_11 = arith.constant 0 : index
    %get3A_12 = vector.load %arg2[%get3A_9, %get3A_10, %get3A_11] : memref<2x1000x128xf32, #tpu.memory_space<vmem>>, vector<1x1000x1xf32>
    %get3A_13 = vector.shape_cast %get3A_12 : vector<1x1000x1xf32> to vector<1000x1xf32>
    %get3A_14 = arith.constant 1 : index
    %get3A_15 = arith.constant 0 : index
    %get3A_16 = arith.constant 0 : index
    %get3A_17 = vector.load %arg2[%get3A_14, %get3A_15, %get3A_16] : memref<2x1000x128xf32, #tpu.memory_space<vmem>>, vector<1x1000x1xf32>
    %get3A_18 = vector.shape_cast %get3A_17 : vector<1x1000x1xf32> to vector<1000x1xf32>
    %add3A_19 = arith.addf %get3A_13, %get3A_18 : vector<1000x1xf32>
    %max3A = arith.constant 1.000000e+00 : f32
    %max3A_20 = vector.broadcast %max3A : f32 to vector<1000x1xf32>
    %max3A_21 = arith.maximumf %add3A_19, %max3A_20 : vector<1000x1xf32>
    %div3A = vector.broadcast %max3A_21 : vector<1000x1xf32> to vector<1000x128xf32>
    %div3A_22 = arith.divf %add3A, %div3A : vector<1000x128xf32>
    %get3A_23 = arith.constant 0 : index
    %get3A_24 = arith.constant 0 : index
    %get3A_25 = vector.load %arg4[%get3A_23, %get3A_24] : memref<128x128xf32, #tpu.memory_space<vmem>>, vector<128x128xf32>
    %dot_general3A = arith.constant dense<0.000000e+00> : vector<1000x128xf32>
    %dot_general3A_26 = tpu.matmul %div3A_22, %get3A_25, %dot_general3A {dimension_numbers = #tpu.dot_dimension_numbers<[1], [1], [0], [0], [0, 0, 1, 0], [], []>, transpose_lhs_hint = false} : vector<1000x128xf32>, vector<128x128xf32>, vector<1000x128xf32> -> vector<1000x128xf32>
    %get3A_27 = arith.constant 0 : index
    %get3A_28 = arith.constant 0 : index
    %get3A_29 = vector.load %arg5[%get3A_27, %get3A_28] : memref<1x128xf32, #tpu.memory_space<vmem>>, vector<1x128xf32>
    %add3A_30 = vector.broadcast %get3A_29 : vector<1x128xf32> to vector<1000x128xf32>
    %add3A_31 = arith.addf %dot_general3A_26, %add3A_30 : vector<1000x128xf32>
    %get3A_32 = arith.constant 0 : index
    %get3A_33 = arith.constant 0 : index
    %get3A_34 = vector.load %arg3[%get3A_32, %get3A_33] : memref<1000x128xf32, #tpu.memory_space<vmem>>, vector<1000x128xf32>
    %get3A_35 = arith.constant 0 : index
    %get3A_36 = arith.constant 0 : index
    %get3A_37 = vector.load %arg6[%get3A_35, %get3A_36] : memref<128x128xf32, #tpu.memory_space<vmem>>, vector<128x128xf32>
    %dot_general3A_38 = arith.constant dense<0.000000e+00> : vector<1000x128xf32>
    %dot_general3A_39 = tpu.matmul %get3A_34, %get3A_37, %dot_general3A_38 {dimension_numbers = #tpu.dot_dimension_numbers<[1], [1], [0], [0], [0, 0, 1, 0], [], []>, transpose_lhs_hint = false} : vector<1000x128xf32>, vector<128x128xf32>, vector<1000x128xf32> -> vector<1000x128xf32>
    %add3A_40 = arith.addf %add3A_31, %dot_general3A_39 : vector<1000x128xf32>
    %reduce_sum3A = arith.constant dense<0.000000e+00> : vector<1000xf32>
    %reduce_sum3A_41 = vector.multi_reduction <add>, %add3A_40, %reduce_sum3A [1] : vector<1000x128xf32> to vector<1000xf32>
    %broadcast_in_dim3A = vector.shape_cast %reduce_sum3A_41 : vector<1000xf32> to vector<1000x1xf32>
    %div3A_42 = arith.constant 1.280000e+02 : f32
    %div3A_43 = vector.broadcast %div3A_42 : f32 to vector<1000x1xf32>
    %div3A_44 = arith.divf %broadcast_in_dim3A, %div3A_43 : vector<1000x1xf32>
    %sub3A = vector.broadcast %div3A_44 : vector<1000x1xf32> to vector<1000x128xf32>
    %sub3A_45 = arith.subf %add3A_40, %sub3A : vector<1000x128xf32>
    %sub3A_46 = vector.broadcast %div3A_44 : vector<1000x1xf32> to vector<1000x128xf32>
    %sub3A_47 = arith.subf %add3A_40, %sub3A_46 : vector<1000x128xf32>
    %mul3A = arith.mulf %sub3A_45, %sub3A_47 : vector<1000x128xf32>
    %reduce_sum3A_48 = arith.constant dense<0.000000e+00> : vector<1000xf32>
    %reduce_sum3A_49 = vector.multi_reduction <add>, %mul3A, %reduce_sum3A_48 [1] : vector<1000x128xf32> to vector<1000xf32>
    %broadcast_in_dim3A_50 = vector.shape_cast %reduce_sum3A_49 : vector<1000xf32> to vector<1000x1xf32>
    %div3A_51 = arith.constant 1.280000e+02 : f32
    %div3A_52 = vector.broadcast %div3A_51 : f32 to vector<1000x1xf32>
    %div3A_53 = arith.divf %broadcast_in_dim3A_50, %div3A_52 : vector<1000x1xf32>
    %sub3A_54 = vector.broadcast %div3A_44 : vector<1000x1xf32> to vector<1000x128xf32>
    %sub3A_55 = arith.subf %add3A_40, %sub3A_54 : vector<1000x128xf32>
    %add3A_56 = arith.constant 9.99999974E-6 : f32
    %add3A_57 = vector.broadcast %add3A_56 : f32 to vector<1000x1xf32>
    %add3A_58 = arith.addf %div3A_53, %add3A_57 : vector<1000x1xf32>
    %rsqrt3A = math.rsqrt %add3A_58 : vector<1000x1xf32>
    %mul3A_59 = vector.broadcast %rsqrt3A : vector<1000x1xf32> to vector<1000x128xf32>
    %mul3A_60 = arith.mulf %sub3A_55, %mul3A_59 : vector<1000x128xf32>
    %get3A_61 = arith.constant 0 : index
    %get3A_62 = arith.constant 0 : index
    %get3A_63 = vector.load %arg7[%get3A_61, %get3A_62] : memref<1x128xf32, #tpu.memory_space<vmem>>, vector<1x128xf32>
    %mul3A_64 = vector.broadcast %get3A_63 : vector<1x128xf32> to vector<1000x128xf32>
    %mul3A_65 = arith.mulf %mul3A_60, %mul3A_64 : vector<1000x128xf32>
    %get3A_66 = arith.constant 0 : index
    %get3A_67 = arith.constant 0 : index
    %get3A_68 = vector.load %arg8[%get3A_66, %get3A_67] : memref<1x128xf32, #tpu.memory_space<vmem>>, vector<1x128xf32>
    %add3A_69 = vector.broadcast %get3A_68 : vector<1x128xf32> to vector<1000x128xf32>
    %add3A_70 = arith.addf %mul3A_65, %add3A_69 : vector<1000x128xf32>
    %swap3A = arith.constant 0 : index
    %swap3A_71 = arith.constant 0 : index
    %swap3A_72 = vector.load %arg11[%swap3A, %swap3A_71] : memref<1000x128xf32, #tpu.memory_space<vmem>>, vector<1000x128xf32>
    tpu.vector_store %arg11[%swap3A, %swap3A_71], %add3A_70 {strides = array<i32>} : memref<1000x128xf32, #tpu.memory_space<vmem>>, vector<1000x128xf32>,
    %get3A_73 = arith.constant 0 : index
    %get3A_74 = arith.constant 0 : index
    %get3A_75 = vector.load %arg9[%get3A_73, %get3A_74] : memref<128x128xf32, #tpu.memory_space<vmem>>, vector<128x128xf32>
    %dot_general3A_76 = arith.constant dense<0.000000e+00> : vector<1000x128xf32>
    %dot_general3A_77 = tpu.matmul %add3A_70, %get3A_75, %dot_general3A_76 {dimension_numbers = #tpu.dot_dimension_numbers<[1], [1], [0], [0], [0, 0, 1, 0], [], []>, transpose_lhs_hint = false} : vector<1000x128xf32>, vector<128x128xf32>, vector<1000x128xf32> -> vector<1000x128xf32>
    %get3A_78 = arith.constant 0 : index
    %get3A_79 = arith.constant 0 : index
    %get3A_80 = vector.load %arg10[%get3A_78, %get3A_79] : memref<1x128xf32, #tpu.memory_space<vmem>>, vector<1x128xf32>
    %add3A_81 = vector.broadcast %get3A_80 : vector<1x128xf32> to vector<1000x128xf32>
    %add3A_82 = arith.addf %dot_general3A_77, %add3A_81 : vector<1000x128xf32>
    %max3A_83 = arith.constant 0.000000e+00 : f32
    %max3A_84 = vector.broadcast %max3A_83 : f32 to vector<1000x128xf32>
    %max3A_85 = arith.maximumf %add3A_82, %max3A_84 : vector<1000x128xf32>
    %swap3A_86 = arith.constant 0 : index
    %swap3A_87 = arith.constant 0 : index
    %swap3A_88 = vector.load %arg12[%swap3A_86, %swap3A_87] : memref<1000x128xf32, #tpu.memory_space<vmem>>, vector<1000x128xf32>
    tpu.vector_store %arg12[%swap3A_86, %swap3A_87], %max3A_85 {strides = array<i32>} : memref<1000x128xf32, #tpu.memory_space<vmem>>, vector<1000x128xf32>,
    return
  }
  func.func @transform_0(%arg0: i32) -> (i32, i32, i32) {
    %c0_i32 = arith.constant 0 : i32
    %c0_i32_0 = arith.constant 0 : i32
    %c0_i32_1 = arith.constant 0 : i32
    return %c0_i32, %arg0, %c0_i32_0 : i32, i32, i32
  }
  func.func @transform_1(%arg0: i32) -> (i32, i32, i32) {
    %c0_i32 = arith.constant 0 : i32
    %c0_i32_0 = arith.constant 0 : i32
    %c0_i32_1 = arith.constant 0 : i32
    return %c0_i32, %arg0, %c0_i32_0 : i32, i32, i32
  }
  func.func @transform_2(%arg0: i32) -> (i32, i32) {
    %c0_i32 = arith.constant 0 : i32
    %c0_i32_0 = arith.constant 0 : i32
    return %arg0, %c0_i32 : i32, i32
  }
  func.func @transform_3(%arg0: i32) -> (i32, i32) {
    %c0_i32 = arith.constant 0 : i32
    %c0_i32_0 = arith.constant 0 : i32
    %c0_i32_1 = arith.constant 0 : i32
    return %c0_i32, %c0_i32_0 : i32, i32
  }
  func.func @transform_4(%arg0: i32) -> (i32, i32) {
    %c0_i32 = arith.constant 0 : i32
    %c0_i32_0 = arith.constant 0 : i32
    %c0_i32_1 = arith.constant 0 : i32
    return %c0_i32, %c0_i32_0 : i32, i32
  }
  func.func @transform_5(%arg0: i32) -> (i32, i32) {
    %c0_i32 = arith.constant 0 : i32
    %c0_i32_0 = arith.constant 0 : i32
    %c0_i32_1 = arith.constant 0 : i32
    return %c0_i32, %c0_i32_0 : i32, i32
  }
  func.func @transform_6(%arg0: i32) -> (i32, i32) {
    %c0_i32 = arith.constant 0 : i32
    %c0_i32_0 = arith.constant 0 : i32
    %c0_i32_1 = arith.constant 0 : i32
    return %c0_i32, %c0_i32_0 : i32, i32
  }
  func.func @transform_7(%arg0: i32) -> (i32, i32) {
    %c0_i32 = arith.constant 0 : i32
    %c0_i32_0 = arith.constant 0 : i32
    %c0_i32_1 = arith.constant 0 : i32
    return %c0_i32, %c0_i32_0 : i32, i32
  }
  func.func @transform_8(%arg0: i32) -> (i32, i32) {
    %c0_i32 = arith.constant 0 : i32
    %c0_i32_0 = arith.constant 0 : i32
    %c0_i32_1 = arith.constant 0 : i32
    return %c0_i32, %c0_i32_0 : i32, i32
  }
  func.func @transform_9(%arg0: i32) -> (i32, i32) {
    %c0_i32 = arith.constant 0 : i32
    %c0_i32_0 = arith.constant 0 : i32
    %c0_i32_1 = arith.constant 0 : i32
    return %c0_i32, %c0_i32_0 : i32, i32
  }
  func.func @transform_10(%arg0: i32) -> (i32, i32) {
    %c0_i32 = arith.constant 0 : i32
    %c0_i32_0 = arith.constant 0 : i32
    return %arg0, %c0_i32 : i32, i32
  }
  func.func @transform_11(%arg0: i32) -> (i32, i32) {
    %c0_i32 = arith.constant 0 : i32
    %c0_i32_0 = arith.constant 0 : i32
    return %arg0, %c0_i32 : i32, i32
  }
}

</mosaic_0001>

<sc_bundles>
// kernel: kernel.11.cloned.1.call-start
scs
__scs_entry_jumppad:
0x0: {  	(pc) =	sbr.rel $0x88, $3  }
0x1: {  	(tag) =	ssettag $0x0;
	lr =	simm.s32 $0x1  }
0x2: {  	[smem:$0x3F91] =	sst lr;
	_ =	strace $0xD0000000  }
0x3: {  	_ = 	snop  }
0x4: {  	_ = 	snop  }
0x5: {  	_ = 	snop  }
0x6: {  	_ = 	snop  }
0x7: {  	_ = 	snop  }
__scs_overlays_trampoline_lowered:
0x8: {  	[smem:$0x3FA0] =	sst s0  }
0x9: {  	[smem:$0x3FA1] =	sst s1  }
0xa: {  	[smem:$0x3FA2] =	sst s2  }
0xb: {  	[smem:$0x3FA3] =	sst s3  }
0xc: {  	[smem:$0x3FA4] =	sst s4  }
0xd: {  	[smem:$0x3FA5] =	sst s5  }
0xe: {  	[smem:$0x3FA6] =	sst s6  }
0xf: {  	[smem:$0x3FA7] =	sst s7  }
0x10: {  	[smem:$0x3FA8] =	sst s8  }
0x11: {  	[smem:$0x3FA9] =	sst s9;
	s0 =	simm.s32 @!p0 $0x0  }
0x12: {  	s1 =	sld [smem:$0x3F8F];
	s0 =	simm.s32 @p0 $0x1  }
0x13: {  	[smem:$0x3FAA] =	sst s0;
	s0 =	simm.s32 @!p1 $0x0  }
0x14: {  	s2 =	sld [smem:$0x3F8E];
	s0 =	simm.s32 @p1 $0x1  }
0x15: {  	[smem:$0x3FAB] =	sst s0;
	s0 =	simm.s32 @!p2 $0x0  }
0x16: {  	s3 =	sld [smem:$0x3FDB];
	s0 =	simm.s32 @p2 $0x1  }
0x17: {  	s4 =	simm.s32 $0x1BF5;
	[smem:$0x3FAD] =	sst s0  }
0x18: {  	s0 =	sld [smem:$0x3F90];
	_ =	swait.ge [sflag:s4], $0x0  }
0x19: {  	s7 =	sld [smem:$0x3F91]  }
0x1a: {  	s8 =	sadd.s32 $0xFFFFE003, lr  }
0x1b: {  	s9 =	sadd.s32 $0xFFFFFEF7, lr;
	s5 =	simm.s32 $0xFFFFFFFF;
	p2 =	slt.u32 s8, $0xFFFFF086  }
0x1c: {  	p1 =	slt.u32 s9, $0xF7A;
	s5 =	simm.s32 @!p2 $0x0  }
0x1d: {  	s5 =	simm.s32 @p1 $0x1;
	p0 =	seq.s32 s7, s2  }
0x1e: {  	s7 =	smul.u32 @!p0 $0xF7A, s2;
	p2 =	seq.s32 @!p0 s5, $0x0  }
0x1f: {  	s9 =	smul.u32 $0xF7A, s1;
	s8 =	simm.s32 @!p0 $0x1BF5;
	p2 =	por !p2, p0  }
0x20: {  	[sflag:s8] =	ssyncset.s32 @!p0 $0xFFFFF086;
	s6 =	sadd.s32 @!p0 s3, s7;
	s7 =	simm.s32 @!p0 $0x108  }
0x21: {  	s3 =	sadd.s32 s3, s9;
	s6 =	sadd.s32 @!p0 $0x88, s6;
	s7 =	simm.s32 @p2 $0x1082  }
0x22: {  	[simem:s7], [sflag:s8] =	dma.local @!p0 [hbm:s6], $0xF7A  }
0x23: {  	s9 =	sor.u32 $0xD0000000, s2;
	s6 =	simm.s32 $0x108;
	_ =	swait.ge @!p0 [sflag:s8], $0x0  }
0x24: {  	s3 =	sadd.s32 $0x88, s3;
	s6 =	simm.s32 @!p1 $0x1082;
	[sflag:s4] =	ssyncset.s32 $0xFFFFF086  }
0x25: {  	[simem:s6], [sflag:s4] =	dma.local [hbm:s3], $0xF7A  }
0x26: {  	[smem:$0x3F91] =	sst s1;
	(tag) =	ssettag s2;
	_ =	strace s9  }
0x27: {  	s1 =	sld [smem:$0x3FA1]  }
0x28: {  	s2 =	sld [smem:$0x3FA2]  }
0x29: {  	s4 =	sld [smem:$0x3FA4]  }
0x2a: {  	p0 =	seq.s32 s5, $0x0;
	s5 =	sld [smem:$0x3FA5]  }
0x2b: {  	s6 =	sld [smem:$0x3FA6]  }
0x2c: {  	s7 =	sld [smem:$0x3FA7]  }
0x2d: {  	s3 =	simm.s32 $0x108;
	s8 =	sld [smem:$0x3FA8]  }
0x2e: {  	s3 =	simm.s32 @!p0 $0x1082;
	s9 =	sld [smem:$0x3FA9]  }
0x2f: {  	lr =	sadd.s32 s0, s3;
	s0 =	sld [smem:$0x3FA0]  }
0x30: {  	s3 =	sld [smem:$0x3FA3]  }
0x31: {  	[smem:$0x3FAC] =	sst s10  }
0x32: {  	s10 =	sld [smem:$0x3FAA];
	_ =	sdelay $0x3  }
0x33: {  	p0 =	seq.s32 s10, $0x1;
	s10 =	sld [smem:$0x3FAC];
	_ =	sdelay $0x3  }
0x34: {  	[smem:$0x3FAC] =	sst s10  }
0x35: {  	s10 =	sld [smem:$0x3FAB];
	_ =	sdelay $0x3  }
0x36: {  	p1 =	seq.s32 s10, $0x1;
	s10 =	sld [smem:$0x3FAC];
	_ =	sdelay $0x3  }
0x37: {  	[smem:$0x3FAC] =	sst s10  }
0x38: {  	s10 =	sld [smem:$0x3FAD]  }
0x39: {  	_ = 	snop;
	(pc) =	sbr.ind lr, $3  }
0x3a: {  	_ = 	snop  }
0x3b: {  	_ = 	snop  }
0x3c: {  	p2 =	seq.s32 s10, $0x1;
	s10 =	sld [smem:$0x3FAC]  }
0x3d: {  	_ =	shalt  }
0x3e: {  	_ =	shalt  }
0x3f: {  	_ =	shalt  }
0x40: {  	_ =	shalt  }
0x41: {  	_ =	shalt  }
0x42: {  	_ =	shalt  }
0x43: {  	_ =	shalt  }
0x44: {  	_ =	shalt  }
0x45: {  	_ =	shalt  }
0x46: {  	_ =	shalt  }
0x47: {  	_ =	shalt  }
0x48: {  	_ =	shalt  }
0x49: {  	_ =	shalt  }
0x4a: {  	_ =	shalt  }
0x4b: {  	_ =	shalt  }
0x4c: {  	_ =	shalt  }
0x4d: {  	_ =	shalt  }
0x4e: {  	_ =	shalt  }
0x4f: {  	_ =	shalt  }
0x50: {  	_ =	shalt  }
0x51: {  	_ =	shalt  }
0x52: {  	_ =	shalt  }
0x53: {  	_ =	shalt  }
0x54: {  	_ =	shalt  }
0x55: {  	_ =	shalt  }
0x56: {  	_ =	shalt  }
0x57: {  	_ =	shalt  }
0x58: {  	_ =	shalt  }
0x59: {  	_ =	shalt  }
0x5a: {  	_ =	shalt  }
0x5b: {  	_ =	shalt  }
0x5c: {  	_ =	shalt  }
0x5d: {  	_ =	shalt  }
0x5e: {  	_ =	shalt  }
0x5f: {  	_ =	shalt  }
0x60: {  	_ =	shalt  }
0x61: {  	_ =	shalt  }
0x62: {  	_ =	shalt  }
0x63: {  	_ =	shalt  }
0x64: {  	_ =	shalt  }
0x65: {  	_ =	shalt  }
0x66: {  	_ =	shalt  }
0x67: {  	_ =	shalt  }
0x68: {  	_ =	shalt  }
0x69: {  	_ =	shalt  }
0x6a: {  	_ =	shalt  }
0x6b: {  	_ =	shalt  }
0x6c: {  	_ =	shalt  }
0x6d: {  	_ =	shalt  }
0x6e: {  	_ =	shalt  }
0x6f: {  	_ =	shalt  }
0x70: {  	_ =	shalt  }
0x71: {  	_ =	shalt  }
0x72: {  	_ =	shalt  }
0x73: {  	_ =	shalt  }
0x74: {  	_ =	shalt  }
0x75: {  	_ =	shalt  }
0x76: {  	_ =	shalt  }
0x77: {  	_ =	shalt  }
0x78: {  	_ =	shalt  }
0x79: {  	_ =	shalt  }
0x7a: {  	_ =	shalt  }
0x7b: {  	_ =	shalt  }
0x7c: {  	_ =	shalt  }
0x7d: {  	_ =	shalt  }
0x7e: {  	_ =	shalt  }
0x7f: {  	_ =	shalt  }
0x80: {  	_ =	shalt  }
0x81: {  	_ =	shalt  }
0x82: {  	_ =	shalt  }
0x83: {  	_ =	shalt  }
0x84: {  	_ =	shalt  }
0x85: {  	_ =	shalt  }
0x86: {  	_ =	shalt  }
0x87: {  	_ =	shalt  }
.Lfunc_end0:
.L_simem_size_0:
called_computation.1_lowered:
.L_overlay_start_0:
0x88: {  	s2 =	sld [smem:$0x3FD9]  }
0x89: {  	s3 =	sld [smem:$0x3FFE];
	_ =	sdelay $0x1  }
0x8a: {  	s1 =	srdreg.scid  }
0x8b: {  	s0 =	sand.u32 $0x1, s1  }
0x8c: {  	s17 =	sshll.u32 s0, $0xA;
	s2 =	sadd.s32 s3, s2  }
0x8d: {  	s2 =	sadd.s32 s2, s17  }
0x8e: {  	[smem:$0x3FB8] =	sst s2  }
0x8f: {  	_ = 	snop  }
0x90: {  	s18 =	sld [smem:$0x3FD0];
	(tm) =	ssettm $0x1  }
0x91: {  	s19 =	sld [smem:$0x3FFB];
	_ =	sdelay $0x3  }
0x92: {  	_ =	strace s19  }
0x93: {  	s2 =	sld [smem:$0x3FFC];
	_ =	sdelay $0x3  }
0x94: {  	_ =	strace s2  }
0x95: {  	s2 =	sld [smem:$0x3FFD];
	_ =	sdelay $0x3  }
0x96: {  	_ =	strace s2  }
0x97: {  	_ =	strace $0x8FFFFFFF  }
0x98: {  	s20 =	sld [smem:$0x3FDB];
	_ =	sdelay $0x1  }
0x99: {  	s4 =	simm.s32 $_scs_section_size  }
0x9a: {  	s5 =	simm.s32 $_size__tile_overlayer_lowered;
	s6 =	simm.s32 $_tile_overlayer_lowered  }
0x9b: {  	s7 =	simm.s32 $0x1BFF;
	s21 =	sshll.u32 s6, $0x1;
	s4 =	sadd.s32 s4, s20  }
0x9c: {  	s22 =	simm.s32 $0x0;
	s5 =	sshll.u32 s5, $0x1;
	s6 =	sadd.s32 s21, s4  }
0x9d: {  	[timem:s22], [sflag:s7] =	dma.local [hbm:s6], s5  }
0x9e: {  	_ =	swait.ge [sflag:s7], s5  }
0x9f: {  	s5 =	ssub.s32 $0x0, s5;
	[sflag:s7] =	ssyncset.done $0x0  }
0xa0: {  	[sflag:s7] =	ssyncadd.s32 s5;
	_ =	sdelay $0x1  }
0xa1: {  	s23 =	simm.s32 $0x1B8B  }
0xa2: {  	_ =	swait.ge [sflag:s23], $0x1  }
0xa3: {  	[sflag:s23] =	ssyncset.done $0x0  }
0xa4: {  	[sflag:s23] =	ssyncadd.s32 $0xFFFFFFFF  }
0xa5: {  	s5 =	sld [smem:$0x0]  }
0xa6: {  	s6 =	sand.u32 $0xFFFFFFFE, s1  }
0xa7: {  	p0 =	sne.s32 s1, s6  }
0xa8: {  	s6 =	sshll.u32 @p0 s6, $0xE  }
0xa9: {  	s6 =	sadd.s32 @p0 $0x11B8D, s6;
	s7 =	sshll.u32 @p0 s5, $0x11  }
0xaa: {  	s6 =	sor.u32 @p0 s7, s6  }
0xab: {  	[sflag:s6] =	ssyncadd.remote.s32 @p0 $0x1;
	_ =	sdelay $0x1  }
0xac: {  	s6 =	simm.s32 @p0 $0x1B8D  }
0xad: {  	_ =	swait.eq @p0 [sflag:s6], $0x1  }
0xae: {  	[sflag:s6] =	ssyncadd.s32 @p0 $0xFFFFFFFF  }
0xaf: {  	s7 =	sshll.u32 @!p0 s1, $0xE  }
0xb0: {  	s7 =	sor.u32 @!p0 $0x4000, s7;
	s6 =	simm.s32 @!p0 $0x1B8D  }
0xb1: {  	s5 =	sshll.u32 @!p0 s5, $0x11;
	s7 =	sadd.s32 @!p0 $0x11B8D, s7;
	_ =	swait.eq @!p0 [sflag:s6], $0x1  }
0xb2: {  	s5 =	sor.u32 @!p0 s5, s7;
	[sflag:s6] =	ssyncadd.s32 @!p0 $0xFFFFFFFF  }
0xb3: {  	s25 =	simm.s32 $0x1B8E;
	s24 =	sld [smem:$0x3FFE];
	[sflag:s5] =	ssyncadd.remote.s32 @!p0 $0x1  }
0xb4: {  	s26 =	simm.s32 $execute0_lowered;
	[smem:$0x3FD2] =	sst s25  }
0xb5: {  	s6 =	sshll.u32 s26, $0x1;
	_ =	strace $0x80000049;
	[dreg:$0x1] =	wrdreg $0xFFFFFFFF  }
0xb6: {  	s28 =	simm.s32 $_size_execute0_lowered;
	s4 =	sadd.s32 s4, s6;
	[dreg:$0x0] =	wrdreg $0x0  }
0xb7: {  	s6 =	sshll.u32 s28, $0x1;
	[dreg:$0x2] =	wrdreg s4  }
0xb8: {  	[dreg:$0x3] =	wrdreg s6  }
0xb9: {  	[dreg:$0x4] =	wrdreg $0xC0  }
0xba: {  	_ =	task [dreg:s22], $0x5FFFF  }
0xbb: {  	[dreg:$0x1] =	wrdreg $0xFFFFFFFF  }
0xbc: {  	[dreg:$0x0] =	wrdreg $0x60  }
0xbd: {  	[dreg:$0x2] =	wrdreg s18  }
0xbe: {  	[dreg:$0x3] =	wrdreg s24  }
0xbf: {  	[dreg:$0x4] =	wrdreg $0x90000  }
0xc0: {  	[dreg:$0x5] =	wrdreg $0xA  }
0xc1: {  	_ =	task.clear_ibuf [dreg:s22], $0x6FFFF;
	_ =	strace $0x90000049  }
0xc2: {  	s29 =	simm.s32 $0xA;
	_ =	strace $0x8000004B  }
0xc3: {  	_ =	swait.ge [sflag:s29], $0x1  }
0xc4: {  	[sflag:s29] =	ssyncadd.s32 $0xFFFFFFFF  }
0xc5: {  	_ =	strace $0x9000004B  }
0xc6: {  	_ =	sfence  }
0xc7: {  	s30 =	sld [smem:$0x0];
	_ =	sdelay $0x2  }
0xc8: {  	s31 =	sshll.u32 s1, $0xD;
	s1 =	sshrl.u32 s1, $0x2  }
0xc9: {  	s4 =	sand.u32 $0x4000, s31;
	s1 =	sadd.s32 s1, s30  }
0xca: {  	s0 =	sor.u32 s4, s0;
	s1 =	sshll.u32 s1, $0x11  }
0xcb: {  	s0 =	sor.u32 s1, s0  }
0xcc: {  	s0 =	sadd.s32 $0x8F2B, s0  }
0xcd: {  	[sflag:s0] =	ssyncadd.remote.s32 $0x1  }
0xce: {  	_ =	sfence.sel $0xFFFF  }
0xcf: {  	[dreg:$0x0] =	wrdreg $0xFFFFFFFF;
	(pc) =	sbr.abs _section_cstart, $3  }
0xd0: {  	[dreg:$0x1] =	wrdreg $0xFFFFFFFF  }
0xd1: {  	_ =	task.clear_ibuf [dreg:s22], $0x2FFFF;
	_ =	strace $0x9FFFFFFF  }
0xd2: {  	(tm) =	ssettm $0x7FFFFFFF  }
0xd3: {  	_ =	shalt  }
tec
execute0_lowered:
.L_overlay_start_1:
0x0: {  	(tag) =	ssettag $0x1  }
0x1: {  	s1 =	rddreg [dreg:$0x0]  }
0x2: {  	s2 =	srdreg.scid;
	s6 =	rddreg [dreg:$0x1]  }
0x3: {  	s0 =	stileid.u32;
	s3 =	rddreg [dreg:$0x2];
	s4 =	simm.s32 $0x0  }
0x4: {  	s14 =	simm.s32 $0x80;
	s15 =	simm.s32 $0x5000;
	s16 =	simm.s32 $0x1  }
0x5: {  	s17 =	simm.s32 $0x0;
	s5 =	sand.u32 $0x1, s2;
	s8 =	smul.u32 $0x14000, s0  }
0x6: {  	s26 =	sshll.u32 s0, $0x1;
	[smem:$0x7FF] =	sst s4;
	s29 =	smul.u32 $0x50000, s0  }
0x7: {  	s31 =	sshll.u32 s0, $0x6;
	s2 =	sor.u32 s5, s26;
	s9 =	smul.u32 $0x140000, s5  }
0x8: {  	s5 =	ssub.s32 $0x2, s5;
	s7 =	smul.u32 $0x2800, s2;
	s2 =	rddreg [dreg:$0x3]  }
0x9: {  	_ =	strace $0x8000004A;
	s28 =	sshrl.u32 s8, $0x3;
	s11 =	sshrl.u32 s5, $0x1  }
0xa: {  	s30 =	sshrl.u32 s29, $0x2;
	s8 =	sadd.s32 s8, s9;
	s11 =	ssub.s32 s5, s11  }
0xb: {  	s13 =	sadd.s32 s30, s3;
	s7 =	sshrl.u32 s7, $0x3;
	s8 =	sshrl.u32 s8, $0x3  }
0xc: {  	s10 =	sadd.s32 s7, s6;
	s7 =	sadd.s32 s28, s6;
	s12 =	sadd.s32 s8, s6  }
0xd: {  	s6 =	sor.u32 $0x1C02, s31;
	s5 =	sadd.s32 $0xDC00, s7;
	s7 =	sadd.s32 $0x85C00, s10  }
0xe: {  	s8 =	sadd.s32 $0x8FC00, s10;
	s9 =	sadd.s32 $0x99C00, s12;
	s10 =	smax.u32 s11, $0x1  }
0xf: {  	s11 =	sshrl.u32 s13, $0x3;
	s12 =	simm.s32 $0x2;
	s13 =	simm.s32 $0x2800  }
.LBB2_1:
0x10: {  	[spmem:s11], [sflag:s6] =	dma.local [hbm:s5], $0x2800  }
0x11: {  	_ =	swait.ge [sflag:s12], $0x2800  }
0x12: {  	[sflag:s12] =	ssyncset.done $0x0  }
0x13: {  	[sflag:s12] =	ssyncadd.s32 $0xFFFFD800  }
0x14: {  	[tilespmem:s4], [sflag:$0x2] =	stream.linear.gather [hbm4b:s7+s4], $0x2780, $0x38;
	[tilespmem:$0x1D000] =	vst v63  }
0x15: {  	_ =	swait.ge [sflag:s12], $0x2780  }
0x16: {  	[sflag:s12] =	ssyncset.done $0x0  }
0x17: {  	[sflag:s12] =	ssyncadd.s32 $0xFFFFD880  }
0x18: {  	[tilespmem:s13], [sflag:$0x2] =	stream.linear.gather [hbm4b:s8+s4], $0x2780, $0x38;
	[tilespmem:$0x1D000] =	vst v63  }
0x19: {  	_ =	swait.ge [sflag:s12], $0x2780  }
0x1a: {  	[sflag:s12] =	ssyncset.done $0x0  }
0x1b: {  	[sflag:s12] =	ssyncadd.s32 $0xFFFFD880  }
0x1c: {  	s18 =	simm.s32 $0x0;
	[bflag:$0x0] =	sbarrier.arrive $0xFFFF  }
0x1d: {  	[tilespmem:s15], [sflag:$0x1] =	stream.indirect.gather [hbm4b:s1+s14], $0x80, s18, s14, $0xb8;
	[tilespmem:$0x1D000] =	vst v63  }
0x1e: {  	_ =	swait.ge [sflag:s16], $0x4000  }
0x1f: {  	[sflag:s16] =	ssyncset.done $0x0  }
0x20: {  	s31 =	simm.s32 $0x2800;
	[sflag:s16] =	ssyncadd.s32 $0xFFFFC000  }
0x21: {  	[spmem:s3] =	stream.indirect.scatter.add.f32 [tilespmem:s15], [sflag:$0x2], $0x80, s31, s14, $0xb8;
	[tilespmem:$0x1D000] =	vst v63  }
0x22: {  	_ =	swait.ge [sflag:s12], $0x4000  }
0x23: {  	s19 =	simm.s32 $0x400;
	s18 =	simm.s32 $0x200;
	[sflag:s12] =	ssyncset.done $0x0  }
.LBB2_2:
0x24: {  	s20 =	sshra.s32 s18, $0x2  }
0x25: {  	[sflag:s12] =	ssyncadd.s32 $0xFFFFC000;
	s18 =	smov.u32 s19;
	s21 =	sadd.s32 $0x200, s19  }
0x26: {  	[tilespmem:s15], [sflag:$0x1] =	stream.indirect.gather [hbm4b:s1+s14], $0x80, s20, s14, $0xb8;
	[tilespmem:$0x1D000] =	vst v63  }
0x27: {  	p0 =	sne.s32 s19, $0x9C00;
	_ =	swait.ge [sflag:s16], $0x4000  }
.Ltmp0:
0x28: {  	[sflag:s16] =	ssyncset.done $0x0;
	(pc) =	sbr.rel @p0 .LBB2_2-.Ltmp0, $4  }
0x29: {  	s19 =	sadd.s32 $0x2800, s20;
	[sflag:s16] =	ssyncadd.s32 $0xFFFFC000  }
0x2a: {  	[spmem:s3] =	stream.indirect.scatter.add.f32 [tilespmem:s15], [sflag:$0x2], $0x80, s19, s14, $0xb8;
	[tilespmem:$0x1D000] =	vst v63  }
0x2b: {  	_ =	swait.ge [sflag:s12], $0x4000  }
0x2c: {  	s19 =	smov.u32 s21;
	[sflag:s12] =	ssyncset.done $0x0  }
0x2d: {  	s18 =	sshra.s32 s18, $0x2;
	[sflag:s12] =	ssyncadd.s32 $0xFFFFC000  }
0x2e: {  	[tilespmem:s15], [sflag:$0x1] =	stream.indirect.gather [hbm4b:s1+s14], $0x80, s18, s14, $0xb8;
	[tilespmem:$0x1D000] =	vst v63  }
0x2f: {  	_ =	swait.ge [sflag:s16], $0x4000  }
0x30: {  	[sflag:s16] =	ssyncset.done $0x0  }
0x31: {  	s18 =	sadd.s32 $0x2800, s18;
	[sflag:s16] =	ssyncadd.s32 $0xFFFFC000  }
0x32: {  	[spmem:s3] =	stream.indirect.scatter.add.f32 [tilespmem:s15], [sflag:$0x2], $0x80, s18, s14, $0xb8;
	[tilespmem:$0x1D000] =	vst v63  }
0x33: {  	_ =	swait.ge [sflag:s12], $0x4000  }
0x34: {  	s17 =	sadd.s32 $0x1, s17;
	[sflag:s12] =	ssyncset.done $0x0  }
0x35: {  	p0 =	sne.s32 s17, s10;
	[sflag:s12] =	ssyncadd.s32 $0xFFFFC000  }
.Ltmp1:
0x36: {  	[bflag:$0x0] =	sbarrier.arrive $0xFFFF;
	(pc) =	sbr.rel @p0 .LBB2_1-.Ltmp1, $4  }
0x37: {  	[hbm:s9], [sflag:s6] =	dma.local [spmem:s11], $0x2800  }
0x38: {  	_ =	swait.ge [sflag:s12], $0x2800  }
0x39: {  	[sflag:s12] =	ssyncset.done $0x0  }
0x3a: {  	[sflag:s12] =	ssyncadd.s32 $0xFFFFD800  }
0x3b: {  	_ =	sfence.sel $0x180000  }
0x3c: {  	[bflag:$0x0] =	sbarrier.arrive $0xFFFF  }
0x3d: {  	p0 =	sne.s32 s0, $0x0;
	_ =	strace $0x9000004A  }
0x3e: {  	s0 =	sadd.s32 @!p0 $0x100000, s2;
	[bflag:$0x2] =	sbarrier.arrive $0xFFFF  }
0x3f: {  	[sflag:s0] =	ssyncadd.tile.s32 @!p0 $0x1;
	_ =	shalt  }
.Lfunc_end2:
_tile_overlayer_lowered:
.L_overlay_start_2:
0x40: {  	(tag) =	ssettag $0x2  }
0x41: {  	s0 =	rddreg [dreg:$0x0];
	s2 =	stileid.u32  }
0x42: {  	s1 =	rddreg [dreg:$0x1];
	p0 =	sne.s32 s2, $0x0  }
0x43: {  	s3 =	rddreg [dreg:$0x2];
	[bflag:$0x3] =	sbarrier.arrive $0xFFFF;
	s2 =	simm.s32 @!p0 $0x1C02  }
0x44: {  	[timem:s3], [sflag:s2] =	dma.local @!p0 [hbm:s0], s1  }
0x45: {  	s0 =	simm.s32 @!p0 $0x2  }
0x46: {  	_ =	swait.ge @!p0 [sflag:s0], s1  }
0x47: {  	s1 =	ssub.s32 @!p0 $0x0, s1;
	[sflag:s0] =	ssyncset.done @!p0 $0x0  }
0x48: {  	[sflag:s0] =	ssyncadd.s32 @!p0 s1  }
0x49: {  	[bflag:$0x3] =	sbarrier.arrive $0xFFFF  }
0x4a: {  	_ =	shalt  }

// kernel: kernel.14.cloned.1.call-start
scs
__scs_entry_jumppad:
0x0: {  	(pc) =	sbr.rel $0x88, $3  }
0x1: {  	(tag) =	ssettag $0x0;
	lr =	simm.s32 $0x1  }
0x2: {  	[smem:$0x3F91] =	sst lr;
	_ =	strace $0xD0000000  }
0x3: {  	_ = 	snop  }
0x4: {  	_ = 	snop  }
0x5: {  	_ = 	snop  }
0x6: {  	_ = 	snop  }
0x7: {  	_ = 	snop  }
__scs_overlays_trampoline_lowered:
0x8: {  	[smem:$0x3FA0] =	sst s0  }
0x9: {  	[smem:$0x3FA1] =	sst s1  }
0xa: {  	[smem:$0x3FA2] =	sst s2  }
0xb: {  	[smem:$0x3FA3] =	sst s3  }
0xc: {  	[smem:$0x3FA4] =	sst s4  }
0xd: {  	[smem:$0x3FA5] =	sst s5  }
0xe: {  	[smem:$0x3FA6] =	sst s6  }
0xf: {  	[smem:$0x3FA7] =	sst s7  }
0x10: {  	[smem:$0x3FA8] =	sst s8  }
0x11: {  	[smem:$0x3FA9] =	sst s9;
	s0 =	simm.s32 @!p0 $0x0  }
0x12: {  	s1 =	sld [smem:$0x3F8F];
	s0 =	simm.s32 @p0 $0x1  }
0x13: {  	[smem:$0x3FAA] =	sst s0;
	s0 =	simm.s32 @!p1 $0x0  }
0x14: {  	s2 =	sld [smem:$0x3F8E];
	s0 =	simm.s32 @p1 $0x1  }
0x15: {  	[smem:$0x3FAB] =	sst s0;
	s0 =	simm.s32 @!p2 $0x0  }
0x16: {  	s3 =	sld [smem:$0x3FDB];
	s0 =	simm.s32 @p2 $0x1  }
0x17: {  	s4 =	simm.s32 $0x1BF5;
	[smem:$0x3FAD] =	sst s0  }
0x18: {  	s0 =	sld [smem:$0x3F90];
	_ =	swait.ge [sflag:s4], $0x0  }
0x19: {  	s7 =	sld [smem:$0x3F91]  }
0x1a: {  	s8 =	sadd.s32 $0xFFFFE003, lr  }
0x1b: {  	s9 =	sadd.s32 $0xFFFFFEF7, lr;
	s5 =	simm.s32 $0xFFFFFFFF;
	p2 =	slt.u32 s8, $0xFFFFF086  }
0x1c: {  	p1 =	slt.u32 s9, $0xF7A;
	s5 =	simm.s32 @!p2 $0x0  }
0x1d: {  	s5 =	simm.s32 @p1 $0x1;
	p0 =	seq.s32 s7, s2  }
0x1e: {  	s7 =	smul.u32 @!p0 $0xF7A, s2;
	p2 =	seq.s32 @!p0 s5, $0x0  }
0x1f: {  	s9 =	smul.u32 $0xF7A, s1;
	s8 =	simm.s32 @!p0 $0x1BF5;
	p2 =	por !p2, p0  }
0x20: {  	[sflag:s8] =	ssyncset.s32 @!p0 $0xFFFFF086;
	s6 =	sadd.s32 @!p0 s3, s7;
	s7 =	simm.s32 @!p0 $0x108  }
0x21: {  	s3 =	sadd.s32 s3, s9;
	s6 =	sadd.s32 @!p0 $0x88, s6;
	s7 =	simm.s32 @p2 $0x1082  }
0x22: {  	[simem:s7], [sflag:s8] =	dma.local @!p0 [hbm:s6], $0xF7A  }
0x23: {  	s9 =	sor.u32 $0xD0000000, s2;
	s6 =	simm.s32 $0x108;
	_ =	swait.ge @!p0 [sflag:s8], $0x0  }
0x24: {  	s3 =	sadd.s32 $0x88, s3;
	s6 =	simm.s32 @!p1 $0x1082;
	[sflag:s4] =	ssyncset.s32 $0xFFFFF086  }
0x25: {  	[simem:s6], [sflag:s4] =	dma.local [hbm:s3], $0xF7A  }
0x26: {  	[smem:$0x3F91] =	sst s1;
	(tag) =	ssettag s2;
	_ =	strace s9  }
0x27: {  	s1 =	sld [smem:$0x3FA1]  }
0x28: {  	s2 =	sld [smem:$0x3FA2]  }
0x29: {  	s4 =	sld [smem:$0x3FA4]  }
0x2a: {  	p0 =	seq.s32 s5, $0x0;
	s5 =	sld [smem:$0x3FA5]  }
0x2b: {  	s6 =	sld [smem:$0x3FA6]  }
0x2c: {  	s7 =	sld [smem:$0x3FA7]  }
0x2d: {  	s3 =	simm.s32 $0x108;
	s8 =	sld [smem:$0x3FA8]  }
0x2e: {  	s3 =	simm.s32 @!p0 $0x1082;
	s9 =	sld [smem:$0x3FA9]  }
0x2f: {  	lr =	sadd.s32 s0, s3;
	s0 =	sld [smem:$0x3FA0]  }
0x30: {  	s3 =	sld [smem:$0x3FA3]  }
0x31: {  	[smem:$0x3FAC] =	sst s10  }
0x32: {  	s10 =	sld [smem:$0x3FAA];
	_ =	sdelay $0x3  }
0x33: {  	p0 =	seq.s32 s10, $0x1;
	s10 =	sld [smem:$0x3FAC];
	_ =	sdelay $0x3  }
0x34: {  	[smem:$0x3FAC] =	sst s10  }
0x35: {  	s10 =	sld [smem:$0x3FAB];
	_ =	sdelay $0x3  }
0x36: {  	p1 =	seq.s32 s10, $0x1;
	s10 =	sld [smem:$0x3FAC];
	_ =	sdelay $0x3  }
0x37: {  	[smem:$0x3FAC] =	sst s10  }
0x38: {  	s10 =	sld [smem:$0x3FAD]  }
0x39: {  	_ = 	snop;
	(pc) =	sbr.ind lr, $3  }
0x3a: {  	_ = 	snop  }
0x3b: {  	_ = 	snop  }
0x3c: {  	p2 =	seq.s32 s10, $0x1;
	s10 =	sld [smem:$0x3FAC]  }
0x3d: {  	_ =	shalt  }
0x3e: {  	_ =	shalt  }
0x3f: {  	_ =	shalt  }
0x40: {  	_ =	shalt  }
0x41: {  	_ =	shalt  }
0x42: {  	_ =	shalt  }
0x43: {  	_ =	shalt  }
0x44: {  	_ =	shalt  }
0x45: {  	_ =	shalt  }
0x46: {  	_ =	shalt  }
0x47: {  	_ =	shalt  }
0x48: {  	_ =	shalt  }
0x49: {  	_ =	shalt  }
0x4a: {  	_ =	shalt  }
0x4b: {  	_ =	shalt  }
0x4c: {  	_ =	shalt  }
0x4d: {  	_ =	shalt  }
0x4e: {  	_ =	shalt  }
0x4f: {  	_ =	shalt  }
0x50: {  	_ =	shalt  }
0x51: {  	_ =	shalt  }
0x52: {  	_ =	shalt  }
0x53: {  	_ =	shalt  }
0x54: {  	_ =	shalt  }
0x55: {  	_ =	shalt  }
0x56: {  	_ =	shalt  }
0x57: {  	_ =	shalt  }
0x58: {  	_ =	shalt  }
0x59: {  	_ =	shalt  }
0x5a: {  	_ =	shalt  }
0x5b: {  	_ =	shalt  }
0x5c: {  	_ =	shalt  }
0x5d: {  	_ =	shalt  }
0x5e: {  	_ =	shalt  }
0x5f: {  	_ =	shalt  }
0x60: {  	_ =	shalt  }
0x61: {  	_ =	shalt  }
0x62: {  	_ =	shalt  }
0x63: {  	_ =	shalt  }
0x64: {  	_ =	shalt  }
0x65: {  	_ =	shalt  }
0x66: {  	_ =	shalt  }
0x67: {  	_ =	shalt  }
0x68: {  	_ =	shalt  }
0x69: {  	_ =	shalt  }
0x6a: {  	_ =	shalt  }
0x6b: {  	_ =	shalt  }
0x6c: {  	_ =	shalt  }
0x6d: {  	_ =	shalt  }
0x6e: {  	_ =	shalt  }
0x6f: {  	_ =	shalt  }
0x70: {  	_ =	shalt  }
0x71: {  	_ =	shalt  }
0x72: {  	_ =	shalt  }
0x73: {  	_ =	shalt  }
0x74: {  	_ =	shalt  }
0x75: {  	_ =	shalt  }
0x76: {  	_ =	shalt  }
0x77: {  	_ =	shalt  }
0x78: {  	_ =	shalt  }
0x79: {  	_ =	shalt  }
0x7a: {  	_ =	shalt  }
0x7b: {  	_ =	shalt  }
0x7c: {  	_ =	shalt  }
0x7d: {  	_ =	shalt  }
0x7e: {  	_ =	shalt  }
0x7f: {  	_ =	shalt  }
0x80: {  	_ =	shalt  }
0x81: {  	_ =	shalt  }
0x82: {  	_ =	shalt  }
0x83: {  	_ =	shalt  }
0x84: {  	_ =	shalt  }
0x85: {  	_ =	shalt  }
0x86: {  	_ =	shalt  }
0x87: {  	_ =	shalt  }
.Lfunc_end0:
.L_simem_size_0:
called_computation.2_lowered:
.L_overlay_start_0:
0x88: {  	s2 =	sld [smem:$0x3FD9]  }
0x89: {  	s3 =	sld [smem:$0x3FFE];
	_ =	sdelay $0x1  }
0x8a: {  	s1 =	srdreg.scid  }
0x8b: {  	s0 =	sand.u32 $0x1, s1  }
0x8c: {  	s17 =	sshll.u32 s0, $0xA;
	s2 =	sadd.s32 s3, s2  }
0x8d: {  	s2 =	sadd.s32 s2, s17  }
0x8e: {  	[smem:$0x3FB8] =	sst s2  }
0x8f: {  	_ = 	snop  }
0x90: {  	s2 =	sld [smem:$0x3FD0];
	(tm) =	ssettm $0x1  }
0x91: {  	s18 =	sld [smem:$0x3FFB];
	_ =	sdelay $0x3  }
0x92: {  	_ =	strace s18  }
0x93: {  	s3 =	sld [smem:$0x3FFC];
	_ =	sdelay $0x3  }
0x94: {  	_ =	strace s3  }
0x95: {  	s3 =	sld [smem:$0x3FFD];
	_ =	sdelay $0x3  }
0x96: {  	_ =	strace s3  }
0x97: {  	_ =	strace $0x8FFFFFFF  }
0x98: {  	s19 =	sld [smem:$0x3FDB];
	_ =	sdelay $0x1  }
0x99: {  	s4 =	simm.s32 $_scs_section_size  }
0x9a: {  	s5 =	simm.s32 $_size__tile_overlayer_lowered;
	s6 =	simm.s32 $_tile_overlayer_lowered  }
0x9b: {  	s22 =	simm.s32 $0x1BFF;
	s21 =	sshll.u32 s6, $0x1;
	s3 =	sadd.s32 s4, s19  }
0x9c: {  	s7 =	simm.s32 $0x0;
	s20 =	sshll.u32 s5, $0x1;
	s5 =	sadd.s32 s21, s3  }
0x9d: {  	[timem:s7], [sflag:s22] =	dma.local [hbm:s5], s20  }
0x9e: {  	_ =	swait.ge [sflag:s22], s20  }
0x9f: {  	s4 =	ssub.s32 $0x0, s20;
	[sflag:s22] =	ssyncset.done $0x0  }
0xa0: {  	[sflag:s22] =	ssyncadd.s32 s4;
	_ =	sdelay $0x1  }
0xa1: {  	s23 =	simm.s32 $0x1B8B  }
0xa2: {  	_ =	swait.ge [sflag:s23], $0x1  }
0xa3: {  	[sflag:s23] =	ssyncset.done $0x0  }
0xa4: {  	s25 =	simm.s32 $0x1B8E;
	s24 =	sld [smem:$0x3FFE];
	[sflag:s23] =	ssyncadd.s32 $0xFFFFFFFF  }
0xa5: {  	s26 =	simm.s32 $execute0_lowered;
	[smem:$0x3FD2] =	sst s25  }
0xa6: {  	s5 =	sshll.u32 s26, $0x1;
	_ =	strace $0x8000004C;
	[dreg:$0x1] =	wrdreg $0xFFFFFFFF  }
0xa7: {  	s28 =	simm.s32 $_size_execute0_lowered;
	s3 =	sadd.s32 s3, s5;
	[dreg:$0x0] =	wrdreg $0x0  }
0xa8: {  	s5 =	sshll.u32 s28, $0x1;
	[dreg:$0x2] =	wrdreg s3  }
0xa9: {  	[dreg:$0x3] =	wrdreg s5  }
0xaa: {  	[dreg:$0x4] =	wrdreg $0xC0  }
0xab: {  	_ =	task [dreg:s7], $0x5FFFF  }
0xac: {  	[dreg:$0x1] =	wrdreg $0xFFFFFFFF  }
0xad: {  	[dreg:$0x0] =	wrdreg $0x60  }
0xae: {  	[dreg:$0x2] =	wrdreg s2  }
0xaf: {  	[dreg:$0x3] =	wrdreg s24  }
0xb0: {  	[dreg:$0x4] =	wrdreg $0x90000  }
0xb1: {  	[dreg:$0x5] =	wrdreg $0x9  }
0xb2: {  	_ =	task.clear_ibuf [dreg:s7], $0x6FFFF;
	_ =	strace $0x9000004C  }
0xb3: {  	s29 =	simm.s32 $0x9;
	_ =	strace $0x8000004E  }
0xb4: {  	_ =	swait.ge [sflag:s29], $0x1  }
0xb5: {  	[sflag:s29] =	ssyncadd.s32 $0xFFFFFFFF  }
0xb6: {  	_ =	strace $0x9000004E  }
0xb7: {  	_ =	sfence  }
0xb8: {  	s30 =	sld [smem:$0x0];
	_ =	sdelay $0x2  }
0xb9: {  	s31 =	sshll.u32 s1, $0xD;
	s1 =	sshrl.u32 s1, $0x2  }
0xba: {  	s3 =	sand.u32 $0x4000, s31;
	s1 =	sadd.s32 s1, s30  }
0xbb: {  	s0 =	sor.u32 s3, s0;
	s1 =	sshll.u32 s1, $0x11  }
0xbc: {  	s0 =	sor.u32 s1, s0  }
0xbd: {  	s0 =	sadd.s32 $0x8F2B, s0  }
0xbe: {  	[sflag:s0] =	ssyncadd.remote.s32 $0x1  }
0xbf: {  	_ =	sfence.sel $0xFFFF  }
0xc0: {  	[dreg:$0x0] =	wrdreg $0xFFFFFFFF;
	(pc) =	sbr.abs _section_cstart, $3  }
0xc1: {  	[dreg:$0x1] =	wrdreg $0xFFFFFFFF  }
0xc2: {  	_ =	task.clear_ibuf [dreg:s7], $0x2FFFF;
	_ =	strace $0x9FFFFFFF  }
0xc3: {  	(tm) =	ssettm $0x7FFFFFFF  }
tec
execute0_lowered:
.L_overlay_start_1:
0x0: {  	(tag) =	ssettag $0x1  }
0x1: {  	s1 =	rddreg [dreg:$0x0]  }
0x2: {  	s2 =	srdreg.scid;
	s6 =	rddreg [dreg:$0x1]  }
0x3: {  	s0 =	stileid.u32;
	s3 =	rddreg [dreg:$0x2];
	s4 =	simm.s32 $0x0  }
0x4: {  	s14 =	simm.s32 $0x80;
	s15 =	simm.s32 $0x5000;
	s16 =	simm.s32 $0x1  }
0x5: {  	s17 =	simm.s32 $0x0;
	s5 =	sand.u32 $0x1, s2;
	s8 =	smul.u32 $0x14000, s0  }
0x6: {  	s26 =	sshll.u32 s0, $0x1;
	[smem:$0x7FF] =	sst s4;
	s29 =	smul.u32 $0x50000, s0  }
0x7: {  	s31 =	sshll.u32 s0, $0x6;
	s2 =	sor.u32 s5, s26;
	s9 =	smul.u32 $0x140000, s5  }
0x8: {  	s5 =	ssub.s32 $0x2, s5;
	s7 =	smul.u32 $0x2800, s2;
	s2 =	rddreg [dreg:$0x3]  }
0x9: {  	_ =	strace $0x8000004D;
	s28 =	sshrl.u32 s8, $0x3;
	s11 =	sshrl.u32 s5, $0x1  }
0xa: {  	s30 =	sshrl.u32 s29, $0x2;
	s8 =	sadd.s32 s8, s9;
	s11 =	ssub.s32 s5, s11  }
0xb: {  	s13 =	sadd.s32 s30, s3;
	s7 =	sshrl.u32 s7, $0x3;
	s8 =	sshrl.u32 s8, $0x3  }
0xc: {  	s10 =	sadd.s32 s7, s6;
	s7 =	sadd.s32 s28, s6;
	s12 =	sadd.s32 s8, s6  }
0xd: {  	s6 =	sor.u32 $0x1C02, s31;
	s5 =	sadd.s32 $0xDC00, s7;
	s7 =	sadd.s32 $0x85C00, s10  }
0xe: {  	s8 =	sadd.s32 $0x8FC00, s10;
	s9 =	sadd.s32 $0x99C00, s12;
	s10 =	smax.u32 s11, $0x1  }
0xf: {  	s11 =	sshrl.u32 s13, $0x3;
	s12 =	simm.s32 $0x2;
	s13 =	simm.s32 $0x2800  }
.LBB2_1:
0x10: {  	[spmem:s11], [sflag:s6] =	dma.local [hbm:s5], $0x2800  }
0x11: {  	_ =	swait.ge [sflag:s12], $0x2800  }
0x12: {  	[sflag:s12] =	ssyncset.done $0x0  }
0x13: {  	[sflag:s12] =	ssyncadd.s32 $0xFFFFD800  }
0x14: {  	[tilespmem:s4], [sflag:$0x2] =	stream.linear.gather [hbm4b:s7+s4], $0x2780, $0x38;
	[tilespmem:$0x1D000] =	vst v63  }
0x15: {  	_ =	swait.ge [sflag:s12], $0x2780  }
0x16: {  	[sflag:s12] =	ssyncset.done $0x0  }
0x17: {  	[sflag:s12] =	ssyncadd.s32 $0xFFFFD880  }
0x18: {  	[tilespmem:s13], [sflag:$0x2] =	stream.linear.gather [hbm4b:s8+s4], $0x2780, $0x38;
	[tilespmem:$0x1D000] =	vst v63  }
0x19: {  	_ =	swait.ge [sflag:s12], $0x2780  }
0x1a: {  	[sflag:s12] =	ssyncset.done $0x0  }
0x1b: {  	[sflag:s12] =	ssyncadd.s32 $0xFFFFD880  }
0x1c: {  	s18 =	simm.s32 $0x0;
	[bflag:$0x0] =	sbarrier.arrive $0xFFFF  }
0x1d: {  	[tilespmem:s15], [sflag:$0x1] =	stream.indirect.gather [hbm4b:s1+s14], $0x80, s18, s14, $0xb8;
	[tilespmem:$0x1D000] =	vst v63  }
0x1e: {  	_ =	swait.ge [sflag:s16], $0x4000  }
0x1f: {  	[sflag:s16] =	ssyncset.done $0x0  }
0x20: {  	s31 =	simm.s32 $0x2800;
	[sflag:s16] =	ssyncadd.s32 $0xFFFFC000  }
0x21: {  	[spmem:s3] =	stream.indirect.scatter.add.f32 [tilespmem:s15], [sflag:$0x2], $0x80, s31, s14, $0xb8;
	[tilespmem:$0x1D000] =	vst v63  }
0x22: {  	_ =	swait.ge [sflag:s12], $0x4000  }
0x23: {  	s19 =	simm.s32 $0x400;
	s18 =	simm.s32 $0x200;
	[sflag:s12] =	ssyncset.done $0x0  }
.LBB2_2:
0x24: {  	s20 =	sshra.s32 s18, $0x2  }
0x25: {  	[sflag:s12] =	ssyncadd.s32 $0xFFFFC000;
	s18 =	smov.u32 s19;
	s21 =	sadd.s32 $0x200, s19  }
0x26: {  	[tilespmem:s15], [sflag:$0x1] =	stream.indirect.gather [hbm4b:s1+s14], $0x80, s20, s14, $0xb8;
	[tilespmem:$0x1D000] =	vst v63  }
0x27: {  	p0 =	sne.s32 s19, $0x9C00;
	_ =	swait.ge [sflag:s16], $0x4000  }
.Ltmp0:
0x28: {  	[sflag:s16] =	ssyncset.done $0x0;
	(pc) =	sbr.rel @p0 .LBB2_2-.Ltmp0, $4  }
0x29: {  	s19 =	sadd.s32 $0x2800, s20;
	[sflag:s16] =	ssyncadd.s32 $0xFFFFC000  }
0x2a: {  	[spmem:s3] =	stream.indirect.scatter.add.f32 [tilespmem:s15], [sflag:$0x2], $0x80, s19, s14, $0xb8;
	[tilespmem:$0x1D000] =	vst v63  }
0x2b: {  	_ =	swait.ge [sflag:s12], $0x4000  }
0x2c: {  	s19 =	smov.u32 s21;
	[sflag:s12] =	ssyncset.done $0x0  }
0x2d: {  	s18 =	sshra.s32 s18, $0x2;
	[sflag:s12] =	ssyncadd.s32 $0xFFFFC000  }
0x2e: {  	[tilespmem:s15], [sflag:$0x1] =	stream.indirect.gather [hbm4b:s1+s14], $0x80, s18, s14, $0xb8;
	[tilespmem:$0x1D000] =	vst v63  }
0x2f: {  	_ =	swait.ge [sflag:s16], $0x4000  }
0x30: {  	[sflag:s16] =	ssyncset.done $0x0  }
0x31: {  	s18 =	sadd.s32 $0x2800, s18;
	[sflag:s16] =	ssyncadd.s32 $0xFFFFC000  }
0x32: {  	[spmem:s3] =	stream.indirect.scatter.add.f32 [tilespmem:s15], [sflag:$0x2], $0x80, s18, s14, $0xb8;
	[tilespmem:$0x1D000] =	vst v63  }
0x33: {  	_ =	swait.ge [sflag:s12], $0x4000  }
0x34: {  	s17 =	sadd.s32 $0x1, s17;
	[sflag:s12] =	ssyncset.done $0x0  }
0x35: {  	p0 =	sne.s32 s17, s10;
	[sflag:s12] =	ssyncadd.s32 $0xFFFFC000  }
.Ltmp1:
0x36: {  	[bflag:$0x0] =	sbarrier.arrive $0xFFFF;
	(pc) =	sbr.rel @p0 .LBB2_1-.Ltmp1, $4  }
0x37: {  	[hbm:s9], [sflag:s6] =	dma.local [spmem:s11], $0x2800  }
0x38: {  	_ =	swait.ge [sflag:s12], $0x2800  }
0x39: {  	[sflag:s12] =	ssyncset.done $0x0  }
0x3a: {  	[sflag:s12] =	ssyncadd.s32 $0xFFFFD800  }
0x3b: {  	_ =	sfence.sel $0x180000  }
0x3c: {  	[bflag:$0x0] =	sbarrier.arrive $0xFFFF  }
0x3d: {  	p0 =	sne.s32 s0, $0x0;
	_ =	strace $0x9000004D  }
0x3e: {  	s0 =	sadd.s32 @!p0 $0x100000, s2;
	[bflag:$0x2] =	sbarrier.arrive $0xFFFF  }
0x3f: {  	[sflag:s0] =	ssyncadd.tile.s32 @!p0 $0x1;
	_ =	shalt  }
.Lfunc_end2:
_tile_overlayer_lowered:
.L_overlay_start_2:
0x40: {  	(tag) =	ssettag $0x2  }
0x41: {  	s0 =	rddreg [dreg:$0x0];
	s2 =	stileid.u32  }
0x42: {  	s1 =	rddreg [dreg:$0x1];
	p0 =	sne.s32 s2, $0x0  }
0x43: {  	s3 =	rddreg [dreg:$0x2];
	[bflag:$0x3] =	sbarrier.arrive $0xFFFF;
	s2 =	simm.s32 @!p0 $0x1C02  }
0x44: {  	[timem:s3], [sflag:s2] =	dma.local @!p0 [hbm:s0], s1  }
0x45: {  	s0 =	simm.s32 @!p0 $0x2  }
0x46: {  	_ =	swait.ge @!p0 [sflag:s0], s1  }
0x47: {  	s1 =	ssub.s32 @!p0 $0x0, s1;
	[sflag:s0] =	ssyncset.done @!p0 $0x0  }
0x48: {  	[sflag:s0] =	ssyncadd.s32 @!p0 s1  }
0x49: {  	[bflag:$0x3] =	sbarrier.arrive $0xFFFF  }
0x4a: {  	_ =	shalt  }

// kernel: kernel.8.cloned.1.call-start
scs
__scs_entry_jumppad:
0x0: {  	(pc) =	sbr.rel $0x88, $3  }
0x1: {  	(tag) =	ssettag $0x0;
	lr =	simm.s32 $0x1  }
0x2: {  	[smem:$0x3F91] =	sst lr;
	_ =	strace $0xD0000000  }
0x3: {  	_ = 	snop  }
0x4: {  	_ = 	snop  }
0x5: {  	_ = 	snop  }
0x6: {  	_ = 	snop  }
0x7: {  	_ = 	snop  }
__scs_overlays_trampoline_lowered:
0x8: {  	[smem:$0x3FA0] =	sst s0  }
0x9: {  	[smem:$0x3FA1] =	sst s1  }
0xa: {  	[smem:$0x3FA2] =	sst s2  }
0xb: {  	[smem:$0x3FA3] =	sst s3  }
0xc: {  	[smem:$0x3FA4] =	sst s4  }
0xd: {  	[smem:$0x3FA5] =	sst s5  }
0xe: {  	[smem:$0x3FA6] =	sst s6  }
0xf: {  	[smem:$0x3FA7] =	sst s7  }
0x10: {  	[smem:$0x3FA8] =	sst s8  }
0x11: {  	[smem:$0x3FA9] =	sst s9;
	s0 =	simm.s32 @!p0 $0x0  }
0x12: {  	s1 =	sld [smem:$0x3F8F];
	s0 =	simm.s32 @p0 $0x1  }
0x13: {  	[smem:$0x3FAA] =	sst s0;
	s0 =	simm.s32 @!p1 $0x0  }
0x14: {  	s2 =	sld [smem:$0x3F8E];
	s0 =	simm.s32 @p1 $0x1  }
0x15: {  	[smem:$0x3FAB] =	sst s0;
	s0 =	simm.s32 @!p2 $0x0  }
0x16: {  	s3 =	sld [smem:$0x3FDB];
	s0 =	simm.s32 @p2 $0x1  }
0x17: {  	s4 =	simm.s32 $0x1BF5;
	[smem:$0x3FAD] =	sst s0  }
0x18: {  	s0 =	sld [smem:$0x3F90];
	_ =	swait.ge [sflag:s4], $0x0  }
0x19: {  	s7 =	sld [smem:$0x3F91]  }
0x1a: {  	s8 =	sadd.s32 $0xFFFFE003, lr  }
0x1b: {  	s9 =	sadd.s32 $0xFFFFFEF7, lr;
	s5 =	simm.s32 $0xFFFFFFFF;
	p2 =	slt.u32 s8, $0xFFFFF086  }
0x1c: {  	p1 =	slt.u32 s9, $0xF7A;
	s5 =	simm.s32 @!p2 $0x0  }
0x1d: {  	s5 =	simm.s32 @p1 $0x1;
	p0 =	seq.s32 s7, s2  }
0x1e: {  	s7 =	smul.u32 @!p0 $0xF7A, s2;
	p2 =	seq.s32 @!p0 s5, $0x0  }
0x1f: {  	s9 =	smul.u32 $0xF7A, s1;
	s8 =	simm.s32 @!p0 $0x1BF5;
	p2 =	por !p2, p0  }
0x20: {  	[sflag:s8] =	ssyncset.s32 @!p0 $0xFFFFF086;
	s6 =	sadd.s32 @!p0 s3, s7;
	s7 =	simm.s32 @!p0 $0x108  }
0x21: {  	s3 =	sadd.s32 s3, s9;
	s6 =	sadd.s32 @!p0 $0x88, s6;
	s7 =	simm.s32 @p2 $0x1082  }
0x22: {  	[simem:s7], [sflag:s8] =	dma.local @!p0 [hbm:s6], $0xF7A  }
0x23: {  	s9 =	sor.u32 $0xD0000000, s2;
	s6 =	simm.s32 $0x108;
	_ =	swait.ge @!p0 [sflag:s8], $0x0  }
0x24: {  	s3 =	sadd.s32 $0x88, s3;
	s6 =	simm.s32 @!p1 $0x1082;
	[sflag:s4] =	ssyncset.s32 $0xFFFFF086  }
0x25: {  	[simem:s6], [sflag:s4] =	dma.local [hbm:s3], $0xF7A  }
0x26: {  	[smem:$0x3F91] =	sst s1;
	(tag) =	ssettag s2;
	_ =	strace s9  }
0x27: {  	s1 =	sld [smem:$0x3FA1]  }
0x28: {  	s2 =	sld [smem:$0x3FA2]  }
0x29: {  	s4 =	sld [smem:$0x3FA4]  }
0x2a: {  	p0 =	seq.s32 s5, $0x0;
	s5 =	sld [smem:$0x3FA5]  }
0x2b: {  	s6 =	sld [smem:$0x3FA6]  }
0x2c: {  	s7 =	sld [smem:$0x3FA7]  }
0x2d: {  	s3 =	simm.s32 $0x108;
	s8 =	sld [smem:$0x3FA8]  }
0x2e: {  	s3 =	simm.s32 @!p0 $0x1082;
	s9 =	sld [smem:$0x3FA9]  }
0x2f: {  	lr =	sadd.s32 s0, s3;
	s0 =	sld [smem:$0x3FA0]  }
0x30: {  	s3 =	sld [smem:$0x3FA3]  }
0x31: {  	[smem:$0x3FAC] =	sst s10  }
0x32: {  	s10 =	sld [smem:$0x3FAA];
	_ =	sdelay $0x3  }
0x33: {  	p0 =	seq.s32 s10, $0x1;
	s10 =	sld [smem:$0x3FAC];
	_ =	sdelay $0x3  }
0x34: {  	[smem:$0x3FAC] =	sst s10  }
0x35: {  	s10 =	sld [smem:$0x3FAB];
	_ =	sdelay $0x3  }
0x36: {  	p1 =	seq.s32 s10, $0x1;
	s10 =	sld [smem:$0x3FAC];
	_ =	sdelay $0x3  }
0x37: {  	[smem:$0x3FAC] =	sst s10  }
0x38: {  	s10 =	sld [smem:$0x3FAD]  }
0x39: {  	_ = 	snop;
	(pc) =	sbr.ind lr, $3  }
0x3a: {  	_ = 	snop  }
0x3b: {  	_ = 	snop  }
0x3c: {  	p2 =	seq.s32 s10, $0x1;
	s10 =	sld [smem:$0x3FAC]  }
0x3d: {  	_ =	shalt  }
0x3e: {  	_ =	shalt  }
0x3f: {  	_ =	shalt  }
0x40: {  	_ =	shalt  }
0x41: {  	_ =	shalt  }
0x42: {  	_ =	shalt  }
0x43: {  	_ =	shalt  }
0x44: {  	_ =	shalt  }
0x45: {  	_ =	shalt  }
0x46: {  	_ =	shalt  }
0x47: {  	_ =	shalt  }
0x48: {  	_ =	shalt  }
0x49: {  	_ =	shalt  }
0x4a: {  	_ =	shalt  }
0x4b: {  	_ =	shalt  }
0x4c: {  	_ =	shalt  }
0x4d: {  	_ =	shalt  }
0x4e: {  	_ =	shalt  }
0x4f: {  	_ =	shalt  }
0x50: {  	_ =	shalt  }
0x51: {  	_ =	shalt  }
0x52: {  	_ =	shalt  }
0x53: {  	_ =	shalt  }
0x54: {  	_ =	shalt  }
0x55: {  	_ =	shalt  }
0x56: {  	_ =	shalt  }
0x57: {  	_ =	shalt  }
0x58: {  	_ =	shalt  }
0x59: {  	_ =	shalt  }
0x5a: {  	_ =	shalt  }
0x5b: {  	_ =	shalt  }
0x5c: {  	_ =	shalt  }
0x5d: {  	_ =	shalt  }
0x5e: {  	_ =	shalt  }
0x5f: {  	_ =	shalt  }
0x60: {  	_ =	shalt  }
0x61: {  	_ =	shalt  }
0x62: {  	_ =	shalt  }
0x63: {  	_ =	shalt  }
0x64: {  	_ =	shalt  }
0x65: {  	_ =	shalt  }
0x66: {  	_ =	shalt  }
0x67: {  	_ =	shalt  }
0x68: {  	_ =	shalt  }
0x69: {  	_ =	shalt  }
0x6a: {  	_ =	shalt  }
0x6b: {  	_ =	shalt  }
0x6c: {  	_ =	shalt  }
0x6d: {  	_ =	shalt  }
0x6e: {  	_ =	shalt  }
0x6f: {  	_ =	shalt  }
0x70: {  	_ =	shalt  }
0x71: {  	_ =	shalt  }
0x72: {  	_ =	shalt  }
0x73: {  	_ =	shalt  }
0x74: {  	_ =	shalt  }
0x75: {  	_ =	shalt  }
0x76: {  	_ =	shalt  }
0x77: {  	_ =	shalt  }
0x78: {  	_ =	shalt  }
0x79: {  	_ =	shalt  }
0x7a: {  	_ =	shalt  }
0x7b: {  	_ =	shalt  }
0x7c: {  	_ =	shalt  }
0x7d: {  	_ =	shalt  }
0x7e: {  	_ =	shalt  }
0x7f: {  	_ =	shalt  }
0x80: {  	_ =	shalt  }
0x81: {  	_ =	shalt  }
0x82: {  	_ =	shalt  }
0x83: {  	_ =	shalt  }
0x84: {  	_ =	shalt  }
0x85: {  	_ =	shalt  }
0x86: {  	_ =	shalt  }
0x87: {  	_ =	shalt  }
.Lfunc_end0:
.L_simem_size_0:
called_computation_lowered:
.L_overlay_start_0:
0x88: {  	s2 =	sld [smem:$0x3FD9]  }
0x89: {  	s3 =	sld [smem:$0x3FFE];
	_ =	sdelay $0x1  }
0x8a: {  	s1 =	srdreg.scid  }
0x8b: {  	s0 =	sand.u32 $0x1, s1  }
0x8c: {  	s16 =	sshll.u32 s0, $0xA;
	s2 =	sadd.s32 s3, s2  }
0x8d: {  	s2 =	sadd.s32 s2, s16  }
0x8e: {  	[smem:$0x3FB8] =	sst s2  }
0x8f: {  	_ = 	snop  }
0x90: {  	(tm) =	ssettm $0x1  }
0x91: {  	s17 =	sld [smem:$0x3FFB];
	_ =	sdelay $0x3  }
0x92: {  	_ =	strace s17  }
0x93: {  	s2 =	sld [smem:$0x3FFC];
	_ =	sdelay $0x3  }
0x94: {  	_ =	strace s2  }
0x95: {  	s2 =	sld [smem:$0x3FFD];
	_ =	sdelay $0x3  }
0x96: {  	_ =	strace s2  }
0x97: {  	_ =	strace $0x8FFFFFFF  }
0x98: {  	s18 =	sld [smem:$0x3FDB];
	_ =	sdelay $0x1  }
0x99: {  	s19 =	simm.s32 $_scs_section_size  }
0x9a: {  	s4 =	simm.s32 $_size__tile_overlayer_lowered;
	s5 =	simm.s32 $_tile_overlayer_lowered  }
0x9b: {  	s22 =	simm.s32 $0x1BFF;
	s21 =	sshll.u32 s5, $0x1;
	s2 =	sadd.s32 s19, s18  }
0x9c: {  	s6 =	simm.s32 $0x0;
	s20 =	sshll.u32 s4, $0x1;
	s4 =	sadd.s32 s21, s2  }
0x9d: {  	[timem:s6], [sflag:s22] =	dma.local [hbm:s4], s20  }
0x9e: {  	_ =	swait.ge [sflag:s22], s20  }
0x9f: {  	s3 =	ssub.s32 $0x0, s20;
	[sflag:s22] =	ssyncset.done $0x0  }
0xa0: {  	[sflag:s22] =	ssyncadd.s32 s3;
	_ =	sdelay $0x1  }
0xa1: {  	s23 =	simm.s32 $0x1B8B  }
0xa2: {  	_ =	swait.ge [sflag:s23], $0x1  }
0xa3: {  	[sflag:s23] =	ssyncset.done $0x0  }
0xa4: {  	s25 =	simm.s32 $0x1B8E;
	s24 =	sld [smem:$0x3FFE];
	[sflag:s23] =	ssyncadd.s32 $0xFFFFFFFF  }
0xa5: {  	s26 =	simm.s32 $execute0_lowered;
	[smem:$0x3FD2] =	sst s25  }
0xa6: {  	s4 =	sshll.u32 s26, $0x1;
	_ =	strace $0x80000046;
	[dreg:$0x1] =	wrdreg $0xFFFFFFFF  }
0xa7: {  	s28 =	simm.s32 $_size_execute0_lowered;
	s2 =	sadd.s32 s2, s4;
	[dreg:$0x0] =	wrdreg $0x0  }
0xa8: {  	s4 =	sshll.u32 s28, $0x1;
	[dreg:$0x2] =	wrdreg s2  }
0xa9: {  	[dreg:$0x3] =	wrdreg s4  }
0xaa: {  	[dreg:$0x4] =	wrdreg $0xC0  }
0xab: {  	_ =	task [dreg:s6], $0x5FFFF  }
0xac: {  	[dreg:$0x1] =	wrdreg $0xFFFFFFFF  }
0xad: {  	[dreg:$0x0] =	wrdreg $0x60  }
0xae: {  	[dreg:$0x2] =	wrdreg s24  }
0xaf: {  	[dreg:$0x3] =	wrdreg $0x68000  }
0xb0: {  	[dreg:$0x4] =	wrdreg $0x9  }
0xb1: {  	_ =	task.clear_ibuf [dreg:s6], $0x5FFFF;
	_ =	strace $0x90000046  }
0xb2: {  	s29 =	simm.s32 $0x9;
	_ =	strace $0x80000048  }
0xb3: {  	_ =	swait.ge [sflag:s29], $0x1  }
0xb4: {  	[sflag:s29] =	ssyncadd.s32 $0xFFFFFFFF  }
0xb5: {  	_ =	strace $0x90000048  }
0xb6: {  	_ =	sfence  }
0xb7: {  	s30 =	sld [smem:$0x0];
	_ =	sdelay $0x2  }
0xb8: {  	s31 =	sshll.u32 s1, $0xD;
	s1 =	sshrl.u32 s1, $0x2  }
0xb9: {  	s3 =	sand.u32 $0x4000, s31;
	s1 =	sadd.s32 s1, s30  }
0xba: {  	s0 =	sor.u32 s3, s0;
	s1 =	sshll.u32 s1, $0x11  }
0xbb: {  	s0 =	sor.u32 s1, s0  }
0xbc: {  	s0 =	sadd.s32 $0x8F2B, s0  }
0xbd: {  	[sflag:s0] =	ssyncadd.remote.s32 $0x1  }
0xbe: {  	_ =	sfence.sel $0xFFFF  }
0xbf: {  	[dreg:$0x0] =	wrdreg $0xFFFFFFFF;
	(pc) =	sbr.abs _section_cstart, $3  }
0xc0: {  	[dreg:$0x1] =	wrdreg $0xFFFFFFFF  }
0xc1: {  	_ =	task.clear_ibuf [dreg:s6], $0x2FFFF;
	_ =	strace $0x9FFFFFFF  }
0xc2: {  	(tm) =	ssettm $0x7FFFFFFF  }
0xc3: {  	_ =	shalt  }
tec
execute0_lowered:
.L_overlay_start_1:
0x0: {  	(tag) =	ssettag $0x1  }
0x1: {  	s1 =	srdreg.scid;
	s5 =	rddreg [dreg:$0x0]  }
0x2: {  	s0 =	stileid.u32;
	s2 =	rddreg [dreg:$0x1];
	s3 =	simm.s32 $0x0  }
0x3: {  	s14 =	simm.s32 $0x0;
	s4 =	sand.u32 $0x1, s1;
	s1 =	rddreg [dreg:$0x2]  }
0x4: {  	s25 =	sshll.u32 s0, $0x1;
	s7 =	smul.u32 $0x14000, s0;
	[smem:$0x7FF] =	sst s3  }
0x5: {  	s29 =	smul.u32 $0x50000, s0;
	s31 =	sshll.u32 s0, $0x6;
	s6 =	sor.u32 s4, s25  }
0x6: {  	s9 =	smul.u32 $0x140000, s4;
	_ =	strace $0x80000047;
	s28 =	ssub.s32 $0x2, s4  }
0x7: {  	s4 =	sadd.s32 $0xD400, s5;
	s6 =	smul.u32 $0x500, s6;
	s8 =	sshrl.u32 s7, $0x3  }
0x8: {  	s11 =	sshrl.u32 s28, $0x1;
	s30 =	sshrl.u32 s29, $0x2;
	s26 =	sadd.s32 s8, s5  }
0x9: {  	s7 =	sadd.s32 s7, s9;
	s11 =	ssub.s32 s28, s11;
	s13 =	sadd.s32 s30, s2  }
0xa: {  	s10 =	sadd.s32 s6, s5;
	s7 =	sshrl.u32 s7, $0x3;
	s6 =	sor.u32 $0x1C01, s31  }
0xb: {  	s9 =	smax.u32 s11, $0x1;
	s11 =	simm.s32 $0x1;
	s12 =	sadd.s32 s7, s5  }
0xc: {  	s5 =	sadd.s32 $0xDC00, s26;
	s7 =	sadd.s32 $0x3400, s10;
	s10 =	sshrl.u32 s13, $0x3  }
0xd: {  	s13 =	simm.s32 $0x80;
	s8 =	sadd.s32 $0x35C00, s12;
	s12 =	simm.s32 $0x2800  }
.LBB2_1:
0xe: {  	[spmem:s10], [sflag:s6] =	dma.local [hbm:s5], $0x2800  }
0xf: {  	_ =	swait.ge [sflag:s11], $0x2800  }
0x10: {  	[sflag:s11] =	ssyncset.done $0x0  }
0x11: {  	[sflag:s11] =	ssyncadd.s32 $0xFFFFD800  }
0x12: {  	[tilespmem:s12], [sflag:$0x1] =	stream.linear.gather [hbm4b:s4+s3], $0x4000, $0x38;
	[tilespmem:$0x1A800] =	vst v63  }
0x13: {  	_ =	swait.ge [sflag:s11], $0x4000  }
0x14: {  	[sflag:s11] =	ssyncset.done $0x0  }
0x15: {  	[sflag:s11] =	ssyncadd.s32 $0xFFFFC000  }
0x16: {  	[tilespmem:s3], [sflag:$0x1] =	stream.linear.gather [hbm4b:s7+s3], $0x2780, $0x38;
	[tilespmem:$0x1A800] =	vst v63  }
0x17: {  	_ =	swait.ge [sflag:s11], $0x2780  }
0x18: {  	[sflag:s11] =	ssyncset.done $0x0  }
0x19: {  	[sflag:s11] =	ssyncadd.s32 $0xFFFFD880  }
0x1a: {  	s15 =	simm.s32 $0x0;
	[bflag:$0x0] =	sbarrier.arrive $0xFFFF  }
0x1b: {  	[spmem:s2] =	stream.indirect.scatter.add.f32 [tilespmem:s12], [sflag:$0x1], $0x80, s15, s13, $0xb8;
	[tilespmem:$0x1A800] =	vst v63  }
0x1c: {  	_ =	swait.ge [sflag:s11], $0x4000  }
0x1d: {  	s15 =	simm.s32 $0x200;
	[sflag:s11] =	ssyncset.done $0x0  }
.LBB2_2:
0x1e: {  	s16 =	sshra.s32 s15, $0x2;
	[sflag:s11] =	ssyncadd.s32 $0xFFFFC000;
	p0 =	sne.s32 s15, $0x9C00  }
0x1f: {  	[spmem:s2] =	stream.indirect.scatter.add.f32 [tilespmem:s12], [sflag:$0x1], $0x80, s16, s13, $0xb8;
	[tilespmem:$0x1A800] =	vst v63  }
.Ltmp0:
0x20: {  	_ = 	snop;
	(pc) =	sbr.rel @p0 .LBB2_2-.Ltmp0, $4  }
0x21: {  	_ = 	snop  }
0x22: {  	s15 =	sadd.s32 $0x200, s15  }
0x23: {  	_ =	swait.ge [sflag:s11], $0x4000  }
0x24: {  	[sflag:s11] =	ssyncset.done $0x0  }
0x25: {  	s14 =	sadd.s32 $0x1, s14  }
0x26: {  	[sflag:s11] =	ssyncadd.s32 $0xFFFFC000;
	p0 =	sne.s32 s14, s9  }
.Ltmp1:
0x27: {  	[bflag:$0x0] =	sbarrier.arrive $0xFFFF;
	(pc) =	sbr.rel @p0 .LBB2_1-.Ltmp1, $4  }
0x28: {  	[hbm:s8], [sflag:s6] =	dma.local [spmem:s10], $0x2800  }
0x29: {  	_ =	swait.ge [sflag:s11], $0x2800  }
0x2a: {  	[sflag:s11] =	ssyncset.done $0x0  }
0x2b: {  	[sflag:s11] =	ssyncadd.s32 $0xFFFFD800  }
0x2c: {  	_ =	sfence.sel $0x180000  }
0x2d: {  	[bflag:$0x0] =	sbarrier.arrive $0xFFFF  }
0x2e: {  	p0 =	sne.s32 s0, $0x0;
	_ =	strace $0x90000047  }
0x2f: {  	s0 =	sadd.s32 @!p0 $0x100000, s1;
	[bflag:$0x2] =	sbarrier.arrive $0xFFFF  }
0x30: {  	[sflag:s0] =	ssyncadd.tile.s32 @!p0 $0x1;
	_ =	shalt  }
.Lfunc_end2:
_tile_overlayer_lowered:
.L_overlay_start_2:
0x31: {  	(tag) =	ssettag $0x2  }
0x32: {  	s0 =	rddreg [dreg:$0x0];
	s2 =	stileid.u32  }
0x33: {  	s1 =	rddreg [dreg:$0x1];
	p0 =	sne.s32 s2, $0x0  }
0x34: {  	s3 =	rddreg [dreg:$0x2];
	[bflag:$0x3] =	sbarrier.arrive $0xFFFF;
	s2 =	simm.s32 @!p0 $0x1C01  }
0x35: {  	[timem:s3], [sflag:s2] =	dma.local @!p0 [hbm:s0], s1  }
0x36: {  	s0 =	simm.s32 @!p0 $0x1  }
0x37: {  	_ =	swait.ge @!p0 [sflag:s0], s1  }
0x38: {  	s1 =	ssub.s32 @!p0 $0x0, s1;
	[sflag:s0] =	ssyncset.done @!p0 $0x0  }
0x39: {  	[sflag:s0] =	ssyncadd.s32 @!p0 s1  }
0x3a: {  	[bflag:$0x3] =	sbarrier.arrive $0xFFFF  }
0x3b: {  	_ =	shalt  }

</sc_bundles>
